<compile_context>
chip_gen: v7x
topology: tpu7x:2x2x1
jax: 0.10.2.dev20260603
libtpu: 0.0.44.dev20260713+nightly
codegen_flags: <defaults>
</compile_context>

<pallas_src>
import functools

import jax
import jax.numpy as jnp
from jax import lax
from jax.experimental import pallas as pl
from jax.experimental.pallas import tpu as pltpu
from jax.experimental.pallas import tpu_sc as plsc

_NC = 2
_NS = 16
_NW = _NC * _NS

_BATCH = 4096
_HIST = 50

_ROWS_BLK = 4000


def _compress_body(x_ref, w_ref, b_ref, o_ref):
    y = lax.dot_general(x_ref[...], w_ref[...],
                        (((1,), (1,)), ((), ())),
                        preferred_element_type=jnp.float32)
    o_ref[:, 0:32] = jnp.clip(y + b_ref[...], -1.0, 1.0)


def _compress_table(table, W, b):
    n_rows, pre = table.shape
    comp = W.shape[0]
    grid = n_rows // _ROWS_BLK
    return pl.pallas_call(
        _compress_body,
        grid=(grid,),
        in_specs=[
            pl.BlockSpec((_ROWS_BLK, pre), lambda i: (i, 0)),
            pl.BlockSpec((comp, pre), lambda i: (0, 0)),
            pl.BlockSpec((1, comp), lambda i: (0, 0)),
        ],
        out_specs=pl.BlockSpec((_ROWS_BLK, pre), lambda i: (i, 0)),
        out_shape=jax.ShapeDtypeStruct((n_rows, pre), jnp.float32),
    )(table, W, b.reshape(1, comp))


_HG = 2
_NHG = _HIST // _HG
_GLEN = _HG * 128


def _sc_gather_body(comp_hbm, idx_hbm, out_hbm, idx_v, rows_g, p_v,
                    gsem, wsem):
    c = lax.axis_index("c")
    s = lax.axis_index("s")
    wid = s * _NC + c
    pltpu.sync_copy(idx_hbm.at[wid], idx_v)

    def gather(u, slot):
        return pltpu.make_async_copy(
            comp_hbm.at[idx_v.at[u]],
            rows_g.at[slot, pl.ds(lax.rem(u, _HG) * 128, 128)],
            gsem.at[slot])

    def fire_group(g, slot):
        for k in range(_HG):
            gather(g * _HG + k, slot).start()

    def drain_group(g, slot):
        for k in range(_HG):
            gather(g * _HG + k, slot).wait()

    def write(g, slot):
        return pltpu.make_async_copy(
            p_v.at[slot],
            out_hbm.at[pl.ds(g * _HG, _HG), slice(None), pl.ds(wid, 1)],
            wsem.at[slot])

    lanes = lax.iota(jnp.int32, 16)

    ridx_all = [[lanes + (hh * 128 + 16 * k) for k in range(8)]
                for hh in range(_HG)]

    def repack(slot):
        src2d = rows_g.at[slot]

        @plsc.parallel_loop(0, 32, unroll=4)
        def _(t):
            tr = t // 8
            cr = lax.rem(t, 8)
            cc = 8 * tr + cr
            ccv = jnp.full((16,), 0, jnp.int32) + cc
            for hh in range(_HG):
                for k in range(8):
                    vec = plsc.load_gather(src2d, [ridx_all[hh][k], ccv])
                    p_v[slot, hh, tr, 0, cr, pl.ds(16 * k, 16)] = vec

    fire_group(0, 0)

    def step(g, carry):
        slot = lax.rem(g, 2)
        nslot = lax.rem(g + 1, 2)

        @pl.when(g + 1 < _NHG)
        def _():
            fire_group(g + 1, nslot)

        drain_group(g, slot)

        @pl.when(g >= 2)
        def _():
            write(g - 2, slot).wait()
        repack(slot)
        write(g, slot).start()
        return carry

    lax.fori_loop(0, _NHG, step, 0)
    write(_NHG - 2, lax.rem(_NHG - 2, 2)).wait()
    write(_NHG - 1, lax.rem(_NHG - 1, 2)).wait()


def _sc_gather(comp_tbl4, idx_t):
    mesh = plsc.VectorSubcoreMesh(core_axis_name="c", subcore_axis_name="s")
    fn = functools.partial(
        pl.kernel,
        out_type=jax.ShapeDtypeStruct((_HIST, 4, _NW, 8, 128), jnp.float32),
        mesh=mesh,
        scratch_types=[
            pltpu.VMEM((_HIST, 128), jnp.int32),
            pltpu.VMEM((2, _GLEN, 32), jnp.float32),
            pltpu.VMEM((2, _HG, 4, 1, 8, 128), jnp.float32),
            pltpu.SemaphoreType.DMA((2,)),
            pltpu.SemaphoreType.DMA((2,)),
        ],
        compiler_params=pltpu.CompilerParams(use_tc_tiling_on_sc=False,
                                             needs_layout_passes=False),
    )(_sc_gather_body)
    return fn(comp_tbl4, idx_t)


def kernel(indices, table, W, b):
    batch, hist = indices.shape
    n_rows, pre = table.shape
    comp_dim = W.shape[0]
    comp_table = _compress_table(table, W, b)
    comp_tbl4 = comp_table.reshape(n_rows * (pre // comp_dim), comp_dim)
    idx4 = indices.astype(jnp.int32) * 4
    idx_t = idx4.reshape(_NW, 128, hist).transpose(0, 2, 1)
    out5 = _sc_gather(comp_tbl4, idx_t)
    out = out5.transpose(2, 4, 0, 1, 3).reshape(batch, hist, comp_dim)
    return out

# --- scband reference (transcript-rebuilt; emitter-appended) ---
"""Pipeline reference for scband-compressed-embedding-64020782514530 (READ-ONLY COPY).

The authoritative reference and input builder live on the scoring server;
editing this copy changes nothing except your own understanding.
"""

import jax, jax.numpy as jnp
import numpy as np

NUM_EMB = 100000
PRE_DIM = 128
COMP_DIM = 32
BATCH = 4096
HIST = 50

def setup_inputs(seed: int = 0) -> dict:
    key = jax.random.key(seed)
    k1, k2, k3 = jax.random.split(key, 3)
    indices = jax.random.randint(k1, (BATCH, HIST), 0, NUM_EMB, dtype=jnp.int64)
    table = jax.random.normal(k2, (NUM_EMB, PRE_DIM), dtype=jnp.float32)
    # nn.Linear(pretrained_dim, compressed_dim): weight [out, in], bias [out]
    W = jax.random.normal(k3, (COMP_DIM, PRE_DIM), dtype=jnp.float32) * (1.0 / np.sqrt(PRE_DIM))
    b = jnp.zeros((COMP_DIM,), dtype=jnp.float32)
    return {"indices": indices, "table": table, "W": W, "b": b}

def reference(indices, table, W, b):
    # Training path of CompressedEmbedding.forward:
    # gather pretrained rows, then Linear + Hardtanh compression
    pretrained = jnp.take(table, indices, axis=0)          # [B, L, PRE_DIM]
    compressed = pretrained @ W.T + b                       # [B, L, COMP_DIM]
    return jnp.clip(compressed, -1.0, 1.0)                 # Hardtanh

if __name__ == "__main__":
    import jax
    _d = setup_inputs()
    print(jax.jit(kernel)(*tuple(_d.values())))

</pallas_src>

<mosaic_0001>
#map = affine_map<(d0, d1) -> (0, 0)>
#map1 = affine_map<(d0, d1) -> (0, 0, 0)>
#map2 = affine_map<(d0, d1) -> (0, 0, 0, 0, 0)>
module attributes {stable_mosaic.version = 14 : i64} {
  func.func @_sc_gather_body(%arg0: i32, %arg1: i32, %arg2: memref<400000x32xf32, #tpu.memory_space<hbm>>, %arg3: memref<32x50x128xi32, #tpu.memory_space<hbm>>, %arg4: memref<50x4x32x8x128xf32, #tpu.memory_space<hbm>>, %arg5: memref<50x128xi32, #tpu.memory_space<vmem>>, %arg6: memref<2x256x32xf32, #tpu.memory_space<vmem>>, %arg7: memref<2x2x4x1x8x128xf32, #tpu.memory_space<vmem>>, %arg8: memref<2x!tpu.dma_semaphore, #tpu.memory_space<semaphore_mem>>, %arg9: memref<2x!tpu.dma_semaphore, #tpu.memory_space<semaphore_mem>>) attributes {dimension_semantics = [#tpu.dimension_semantics<core_parallel>, #tpu.dimension_semantics<subcore_parallel>], iteration_bounds = array<i64: 2, 16>, scalar_prefetch = 0 : i64, scratch_operands = 5 : i64, tpu.core_type = #tpu.core_type<sc_vector_subcore>, window_params = [{transform_indices = #map}, {transform_indices = #map1}, {transform_indices = #map2}]} {
    %mul3A = arith.constant 2 : i32
    %mul3A_0 = arith.muli %arg1, %mul3A : i32
    %add3A = arith.addi %mul3A_0, %arg0 : i32
    "tpu.region"() ({
      %run_scoped3A = tpu.sem_alloc : memref<!tpu.dma_semaphore, #tpu.memory_space<semaphore_mem>>
      %dma_start3A_147 = arith.constant 0 : i32
      %dma_start3A_148 = arith.constant 0 : i32
      %dma_start3A_149 = tpu.memref_slice %arg3[%add3A, %dma_start3A_147, %dma_start3A_148] : memref<32x50x128xi32, #tpu.memory_space<hbm>> -> memref<1x50x128xi32, #tpu.memory_space<hbm>>
      %dma_start3A_150 = tpu.memref_squeeze %dma_start3A_149 : memref<1x50x128xi32, #tpu.memory_space<hbm>> -> memref<50x128xi32, #tpu.memory_space<hbm>>
      %dma_start3A_151 = arith.constant 0 : i32
      %dma_start3A_152 = arith.constant 0 : i32
      %dma_start3A_153 = tpu.memref_slice %arg3[%add3A, %dma_start3A_151, %dma_start3A_152] : memref<32x50x128xi32, #tpu.memory_space<hbm>> -> memref<1x50x128xi32, #tpu.memory_space<hbm>>
      %dma_start3A_154 = tpu.memref_squeeze %dma_start3A_153 : memref<1x50x128xi32, #tpu.memory_space<hbm>> -> memref<50x128xi32, #tpu.memory_space<hbm>>
      tpu.enqueue_dma source(%dma_start3A_154 : memref<50x128xi32, #tpu.memory_space<hbm>>) target(%arg5 : memref<50x128xi32, #tpu.memory_space<vmem>>) target_semaphore(%run_scoped3A : memref<!tpu.dma_semaphore, #tpu.memory_space<semaphore_mem>>)
      %dma_wait3A_155 = arith.constant 0 : i32
      %dma_wait3A_156 = arith.constant 0 : i32
      %dma_wait3A_157 = tpu.memref_slice %arg3[%add3A, %dma_wait3A_155, %dma_wait3A_156] : memref<32x50x128xi32, #tpu.memory_space<hbm>> -> memref<1x50x128xi32, #tpu.memory_space<hbm>>
      %dma_wait3A_158 = tpu.memref_squeeze %dma_wait3A_157 : memref<1x50x128xi32, #tpu.memory_space<hbm>> -> memref<50x128xi32, #tpu.memory_space<hbm>>
      %dma_wait3A_159 = arith.constant 0 : i32
      %dma_wait3A_160 = arith.constant 0 : i32
      %dma_wait3A_161 = tpu.memref_slice %arg3[%add3A, %dma_wait3A_159, %dma_wait3A_160] : memref<32x50x128xi32, #tpu.memory_space<hbm>> -> memref<1x50x128xi32, #tpu.memory_space<hbm>>
      %dma_wait3A_162 = tpu.memref_squeeze %dma_wait3A_161 : memref<1x50x128xi32, #tpu.memory_space<hbm>> -> memref<50x128xi32, #tpu.memory_space<hbm>>
      tpu.wait_dma2 semaphore(%run_scoped3A : memref<!tpu.dma_semaphore, #tpu.memory_space<semaphore_mem>>) src(%dma_wait3A_162 : memref<50x128xi32, #tpu.memory_space<hbm>>) dst(%arg5 : memref<50x128xi32, #tpu.memory_space<vmem>>)
      tpu.yield
    }) : () -> ()
    %iota3A = tpu.iota {dimensions = array<i32: 0>} : vector<16xi32>
    %add3A_1 = arith.constant 0 : i32
    %add3A_2 = vector.broadcast %add3A_1 : i32 to vector<16xi32>
    %add3A_3 = arith.addi %iota3A, %add3A_2 : vector<16xi32>
    %add3A_4 = arith.constant 16 : i32
    %add3A_5 = vector.broadcast %add3A_4 : i32 to vector<16xi32>
    %add3A_6 = arith.addi %iota3A, %add3A_5 : vector<16xi32>
    %add3A_7 = arith.constant 32 : i32
    %add3A_8 = vector.broadcast %add3A_7 : i32 to vector<16xi32>
    %add3A_9 = arith.addi %iota3A, %add3A_8 : vector<16xi32>
    %add3A_10 = arith.constant 48 : i32
    %add3A_11 = vector.broadcast %add3A_10 : i32 to vector<16xi32>
    %add3A_12 = arith.addi %iota3A, %add3A_11 : vector<16xi32>
    %add3A_13 = arith.constant 64 : i32
    %add3A_14 = vector.broadcast %add3A_13 : i32 to vector<16xi32>
    %add3A_15 = arith.addi %iota3A, %add3A_14 : vector<16xi32>
    %add3A_16 = arith.constant 80 : i32
    %add3A_17 = vector.broadcast %add3A_16 : i32 to vector<16xi32>
    %add3A_18 = arith.addi %iota3A, %add3A_17 : vector<16xi32>
    %add3A_19 = arith.constant 96 : i32
    %add3A_20 = vector.broadcast %add3A_19 : i32 to vector<16xi32>
    %add3A_21 = arith.addi %iota3A, %add3A_20 : vector<16xi32>
    %add3A_22 = arith.constant 112 : i32
    %add3A_23 = vector.broadcast %add3A_22 : i32 to vector<16xi32>
    %add3A_24 = arith.addi %iota3A, %add3A_23 : vector<16xi32>
    %add3A_25 = arith.constant 128 : i32
    %add3A_26 = vector.broadcast %add3A_25 : i32 to vector<16xi32>
    %add3A_27 = arith.addi %iota3A, %add3A_26 : vector<16xi32>
    %add3A_28 = arith.constant 144 : i32
    %add3A_29 = vector.broadcast %add3A_28 : i32 to vector<16xi32>
    %add3A_30 = arith.addi %iota3A, %add3A_29 : vector<16xi32>
    %add3A_31 = arith.constant 160 : i32
    %add3A_32 = vector.broadcast %add3A_31 : i32 to vector<16xi32>
    %add3A_33 = arith.addi %iota3A, %add3A_32 : vector<16xi32>
    %add3A_34 = arith.constant 176 : i32
    %add3A_35 = vector.broadcast %add3A_34 : i32 to vector<16xi32>
    %add3A_36 = arith.addi %iota3A, %add3A_35 : vector<16xi32>
    %add3A_37 = arith.constant 192 : i32
    %add3A_38 = vector.broadcast %add3A_37 : i32 to vector<16xi32>
    %add3A_39 = arith.addi %iota3A, %add3A_38 : vector<16xi32>
    %add3A_40 = arith.constant 208 : i32
    %add3A_41 = vector.broadcast %add3A_40 : i32 to vector<16xi32>
    %add3A_42 = arith.addi %iota3A, %add3A_41 : vector<16xi32>
    %add3A_43 = arith.constant 224 : i32
    %add3A_44 = vector.broadcast %add3A_43 : i32 to vector<16xi32>
    %add3A_45 = arith.addi %iota3A, %add3A_44 : vector<16xi32>
    %add3A_46 = arith.constant 240 : i32
    %add3A_47 = vector.broadcast %add3A_46 : i32 to vector<16xi32>
    %add3A_48 = arith.addi %iota3A, %add3A_47 : vector<16xi32>
    %rem3A = arith.constant 0 : i32
    %rem3A_49 = arith.constant 2 : i32
    %rem3A_50 = arith.remsi %rem3A, %rem3A_49 : i32
    %mul3A_51 = arith.constant 128 : i32
    %mul3A_52 = arith.muli %rem3A_50, %mul3A_51 : i32
    %dma_start3A = arith.constant 0 : i32
    %dma_start3A_53 = arith.constant 0 : i32
    %dma_start3A_54 = arith.constant 0 : i32
    %dma_start3A_55 = arith.constant 0 : i32
    %dma_start3A_56 = tpu.memref_slice %arg6[%dma_start3A_53, %mul3A_52, %dma_start3A_55] : memref<2x256x32xf32, #tpu.memory_space<vmem>> -> memref<1x128x32xf32, #tpu.memory_space<vmem>>
    %dma_start3A_57 = tpu.memref_squeeze %dma_start3A_56 : memref<1x128x32xf32, #tpu.memory_space<vmem>> -> memref<128x32xf32, #tpu.memory_space<vmem>>
    %dma_start3A_58 = arith.constant 0 : i32
    %dma_start3A_59 = tpu.memref_slice %arg5[%dma_start3A, %dma_start3A_58] : memref<50x128xi32, #tpu.memory_space<vmem>> -> memref<1x128xi32, #tpu.memory_space<vmem>>
    %dma_start3A_60 = tpu.memref_squeeze %dma_start3A_59 : memref<1x128xi32, #tpu.memory_space<vmem>> -> memref<128xi32, #tpu.memory_space<vmem>>
    %dma_start3A_61 = arith.constant 0 : i32
    %dma_start3A_62 = arith.constant 0 : i32
    %dma_start3A_63 = tpu.memref_slice %arg2[%dma_start3A_61, %dma_start3A_62] : memref<400000x32xf32, #tpu.memory_space<hbm>> -> memref<400000x32xf32, #tpu.memory_space<hbm>>
    %dma_start3A_64 = tpu.memref_slice %arg8[%dma_start3A_54] : memref<2x!tpu.dma_semaphore, #tpu.memory_space<semaphore_mem>> -> memref<1x!tpu.dma_semaphore, #tpu.memory_space<semaphore_mem>>
    %dma_start3A_65 = tpu.memref_squeeze %dma_start3A_64 : memref<1x!tpu.dma_semaphore, #tpu.memory_space<semaphore_mem>> -> memref<!tpu.dma_semaphore, #tpu.memory_space<semaphore_mem>>
    tpu.enqueue_indirect_dma source(%dma_start3A_63 : memref<400000x32xf32, #tpu.memory_space<hbm>>) target(%dma_start3A_57 : memref<128x32xf32, #tpu.memory_space<vmem>>) offsets(%dma_start3A_60 : memref<128xi32, #tpu.memory_space<vmem>>) semaphore(%dma_start3A_65 : memref<!tpu.dma_semaphore, #tpu.memory_space<semaphore_mem>>)
    %rem3A_66 = arith.constant 1 : i32
    %rem3A_67 = arith.constant 2 : i32
    %rem3A_68 = arith.remsi %rem3A_66, %rem3A_67 : i32
    %mul3A_69 = arith.constant 128 : i32
    %mul3A_70 = arith.muli %rem3A_68, %mul3A_69 : i32
    %dma_start3A_71 = arith.constant 1 : i32
    %dma_start3A_72 = arith.constant 0 : i32
    %dma_start3A_73 = arith.constant 0 : i32
    %dma_start3A_74 = arith.constant 0 : i32
    %dma_start3A_75 = tpu.memref_slice %arg6[%dma_start3A_72, %mul3A_70, %dma_start3A_74] : memref<2x256x32xf32, #tpu.memory_space<vmem>> -> memref<1x128x32xf32, #tpu.memory_space<vmem>>
    %dma_start3A_76 = tpu.memref_squeeze %dma_start3A_75 : memref<1x128x32xf32, #tpu.memory_space<vmem>> -> memref<128x32xf32, #tpu.memory_space<vmem>>
    %dma_start3A_77 = arith.constant 0 : i32
    %dma_start3A_78 = tpu.memref_slice %arg5[%dma_start3A_71, %dma_start3A_77] : memref<50x128xi32, #tpu.memory_space<vmem>> -> memref<1x128xi32, #tpu.memory_space<vmem>>
    %dma_start3A_79 = tpu.memref_squeeze %dma_start3A_78 : memref<1x128xi32, #tpu.memory_space<vmem>> -> memref<128xi32, #tpu.memory_space<vmem>>
    %dma_start3A_80 = arith.constant 0 : i32
    %dma_start3A_81 = arith.constant 0 : i32
    %dma_start3A_82 = tpu.memref_slice %arg2[%dma_start3A_80, %dma_start3A_81] : memref<400000x32xf32, #tpu.memory_space<hbm>> -> memref<400000x32xf32, #tpu.memory_space<hbm>>
    %dma_start3A_83 = tpu.memref_slice %arg8[%dma_start3A_73] : memref<2x!tpu.dma_semaphore, #tpu.memory_space<semaphore_mem>> -> memref<1x!tpu.dma_semaphore, #tpu.memory_space<semaphore_mem>>
    %dma_start3A_84 = tpu.memref_squeeze %dma_start3A_83 : memref<1x!tpu.dma_semaphore, #tpu.memory_space<semaphore_mem>> -> memref<!tpu.dma_semaphore, #tpu.memory_space<semaphore_mem>>
    tpu.enqueue_indirect_dma source(%dma_start3A_82 : memref<400000x32xf32, #tpu.memory_space<hbm>>) target(%dma_start3A_76 : memref<128x32xf32, #tpu.memory_space<vmem>>) offsets(%dma_start3A_79 : memref<128xi32, #tpu.memory_space<vmem>>) semaphore(%dma_start3A_84 : memref<!tpu.dma_semaphore, #tpu.memory_space<semaphore_mem>>)
    %scan3A = arith.constant 0 : i32
    %scan3A_85 = arith.constant 0 : i32
    %scan3A_86 = arith.constant 25 : i32
    %scan3A_87 = arith.addi %scan3A_85, %scan3A_86 : i32
    %scan3A_88 = arith.constant 1 : i32
    scf.for %scan3A_147 = %scan3A_85 to %scan3A_87 step %scan3A_88  : i32 {
      %rem3A_148 = arith.constant 2 : i32
      %rem3A_149 = arith.remsi %scan3A_147, %rem3A_148 : i32
      %add3A_150 = arith.constant 1 : i32
      %add3A_151 = arith.addi %scan3A_147, %add3A_150 : i32
      %rem3A_152 = arith.constant 2 : i32
      %rem3A_153 = arith.remsi %add3A_151, %rem3A_152 : i32
      %add3A_154 = arith.constant 1 : i32
      %add3A_155 = arith.addi %scan3A_147, %add3A_154 : i32
      %lt3A = arith.constant 25 : i32
      %lt3A_156 = arith.cmpi slt, %add3A_155, %lt3A : i32
      %convert_element_type3A = arith.extui %lt3A_156 : i1 to i32
      %cond3A = arith.constant 0 : i32
      %cond3A_157 = arith.cmpi ne, %convert_element_type3A, %cond3A : i32
      scf.if %cond3A_157 {
        %add3A_228 = arith.constant 1 : i32
        %add3A_229 = arith.addi %scan3A_147, %add3A_228 : i32
        %mul3A_230 = arith.constant 2 : i32
        %mul3A_231 = arith.muli %add3A_229, %mul3A_230 : i32
        %add3A_232 = arith.constant 0 : i32
        %add3A_233 = arith.addi %mul3A_231, %add3A_232 : i32
        %rem3A_234 = arith.constant 2 : i32
        %rem3A_235 = arith.remsi %add3A_233, %rem3A_234 : i32
        %mul3A_236 = arith.constant 128 : i32
        %mul3A_237 = arith.muli %rem3A_235, %mul3A_236 : i32
        %dma_start3A_238 = arith.constant 0 : i32
        %dma_start3A_239 = tpu.memref_slice %arg6[%rem3A_153, %mul3A_237, %dma_start3A_238] : memref<2x256x32xf32, #tpu.memory_space<vmem>> -> memref<1x128x32xf32, #tpu.memory_space<vmem>>
        %dma_start3A_240 = tpu.memref_squeeze %dma_start3A_239 : memref<1x128x32xf32, #tpu.memory_space<vmem>> -> memref<128x32xf32, #tpu.memory_space<vmem>>
        %dma_start3A_241 = arith.constant 0 : i32
        %dma_start3A_242 = tpu.memref_slice %arg5[%add3A_233, %dma_start3A_241] : memref<50x128xi32, #tpu.memory_space<vmem>> -> memref<1x128xi32, #tpu.memory_space<vmem>>
        %dma_start3A_243 = tpu.memref_squeeze %dma_start3A_242 : memref<1x128xi32, #tpu.memory_space<vmem>> -> memref<128xi32, #tpu.memory_space<vmem>>
        %dma_start3A_244 = arith.constant 0 : i32
        %dma_start3A_245 = arith.constant 0 : i32
        %dma_start3A_246 = tpu.memref_slice %arg2[%dma_start3A_244, %dma_start3A_245] : memref<400000x32xf32, #tpu.memory_space<hbm>> -> memref<400000x32xf32, #tpu.memory_space<hbm>>
        %dma_start3A_247 = tpu.memref_slice %arg8[%rem3A_153] : memref<2x!tpu.dma_semaphore, #tpu.memory_space<semaphore_mem>> -> memref<1x!tpu.dma_semaphore, #tpu.memory_space<semaphore_mem>>
        %dma_start3A_248 = tpu.memref_squeeze %dma_start3A_247 : memref<1x!tpu.dma_semaphore, #tpu.memory_space<semaphore_mem>> -> memref<!tpu.dma_semaphore, #tpu.memory_space<semaphore_mem>>
        tpu.enqueue_indirect_dma source(%dma_start3A_246 : memref<400000x32xf32, #tpu.memory_space<hbm>>) target(%dma_start3A_240 : memref<128x32xf32, #tpu.memory_space<vmem>>) offsets(%dma_start3A_243 : memref<128xi32, #tpu.memory_space<vmem>>) semaphore(%dma_start3A_248 : memref<!tpu.dma_semaphore, #tpu.memory_space<semaphore_mem>>)
        %mul3A_249 = arith.constant 2 : i32
        %mul3A_250 = arith.muli %add3A_229, %mul3A_249 : i32
        %add3A_251 = arith.constant 1 : i32
        %add3A_252 = arith.addi %mul3A_250, %add3A_251 : i32
        %rem3A_253 = arith.constant 2 : i32
        %rem3A_254 = arith.remsi %add3A_252, %rem3A_253 : i32
        %mul3A_255 = arith.constant 128 : i32
        %mul3A_256 = arith.muli %rem3A_254, %mul3A_255 : i32
        %dma_start3A_257 = arith.constant 0 : i32
        %dma_start3A_258 = tpu.memref_slice %arg6[%rem3A_153, %mul3A_256, %dma_start3A_257] : memref<2x256x32xf32, #tpu.memory_space<vmem>> -> memref<1x128x32xf32, #tpu.memory_space<vmem>>
        %dma_start3A_259 = tpu.memref_squeeze %dma_start3A_258 : memref<1x128x32xf32, #tpu.memory_space<vmem>> -> memref<128x32xf32, #tpu.memory_space<vmem>>
        %dma_start3A_260 = arith.constant 0 : i32
        %dma_start3A_261 = tpu.memref_slice %arg5[%add3A_252, %dma_start3A_260] : memref<50x128xi32, #tpu.memory_space<vmem>> -> memref<1x128xi32, #tpu.memory_space<vmem>>
        %dma_start3A_262 = tpu.memref_squeeze %dma_start3A_261 : memref<1x128xi32, #tpu.memory_space<vmem>> -> memref<128xi32, #tpu.memory_space<vmem>>
        %dma_start3A_263 = arith.constant 0 : i32
        %dma_start3A_264 = arith.constant 0 : i32
        %dma_start3A_265 = tpu.memref_slice %arg2[%dma_start3A_263, %dma_start3A_264] : memref<400000x32xf32, #tpu.memory_space<hbm>> -> memref<400000x32xf32, #tpu.memory_space<hbm>>
        %dma_start3A_266 = tpu.memref_slice %arg8[%rem3A_153] : memref<2x!tpu.dma_semaphore, #tpu.memory_space<semaphore_mem>> -> memref<1x!tpu.dma_semaphore, #tpu.memory_space<semaphore_mem>>
        %dma_start3A_267 = tpu.memref_squeeze %dma_start3A_266 : memref<1x!tpu.dma_semaphore, #tpu.memory_space<semaphore_mem>> -> memref<!tpu.dma_semaphore, #tpu.memory_space<semaphore_mem>>
        tpu.enqueue_indirect_dma source(%dma_start3A_265 : memref<400000x32xf32, #tpu.memory_space<hbm>>) target(%dma_start3A_259 : memref<128x32xf32, #tpu.memory_space<vmem>>) offsets(%dma_start3A_262 : memref<128xi32, #tpu.memory_space<vmem>>) semaphore(%dma_start3A_267 : memref<!tpu.dma_semaphore, #tpu.memory_space<semaphore_mem>>)
      } else {
      }
      %mul3A_158 = arith.constant 2 : i32
      %mul3A_159 = arith.muli %scan3A_147, %mul3A_158 : i32
      %add3A_160 = arith.constant 0 : i32
      %add3A_161 = arith.addi %mul3A_159, %add3A_160 : i32
      %rem3A_162 = arith.constant 2 : i32
      %rem3A_163 = arith.remsi %add3A_161, %rem3A_162 : i32
      %mul3A_164 = arith.constant 128 : i32
      %mul3A_165 = arith.muli %rem3A_163, %mul3A_164 : i32
      %dma_wait3A_166 = arith.constant 0 : i32
      %dma_wait3A_167 = tpu.memref_slice %arg6[%rem3A_149, %mul3A_165, %dma_wait3A_166] : memref<2x256x32xf32, #tpu.memory_space<vmem>> -> memref<1x128x32xf32, #tpu.memory_space<vmem>>
      %dma_wait3A_168 = tpu.memref_squeeze %dma_wait3A_167 : memref<1x128x32xf32, #tpu.memory_space<vmem>> -> memref<128x32xf32, #tpu.memory_space<vmem>>
      %dma_wait3A_169 = arith.constant 0 : i32
      %dma_wait3A_170 = tpu.memref_slice %arg5[%add3A_161, %dma_wait3A_169] : memref<50x128xi32, #tpu.memory_space<vmem>> -> memref<1x128xi32, #tpu.memory_space<vmem>>
      %dma_wait3A_171 = tpu.memref_squeeze %dma_wait3A_170 : memref<1x128xi32, #tpu.memory_space<vmem>> -> memref<128xi32, #tpu.memory_space<vmem>>
      %dma_wait3A_172 = arith.constant 0 : i32
      %dma_wait3A_173 = arith.constant 0 : i32
      %dma_wait3A_174 = tpu.memref_slice %arg2[%dma_wait3A_172, %dma_wait3A_173] : memref<400000x32xf32, #tpu.memory_space<hbm>> -> memref<400000x32xf32, #tpu.memory_space<hbm>>
      %dma_wait3A_175 = tpu.memref_slice %arg8[%rem3A_149] : memref<2x!tpu.dma_semaphore, #tpu.memory_space<semaphore_mem>> -> memref<1x!tpu.dma_semaphore, #tpu.memory_space<semaphore_mem>>
      %dma_wait3A_176 = tpu.memref_squeeze %dma_wait3A_175 : memref<1x!tpu.dma_semaphore, #tpu.memory_space<semaphore_mem>> -> memref<!tpu.dma_semaphore, #tpu.memory_space<semaphore_mem>>
      tpu.wait_indirect_dma semaphore(%dma_wait3A_176 : memref<!tpu.dma_semaphore, #tpu.memory_space<semaphore_mem>>) src(%dma_wait3A_174 : memref<400000x32xf32, #tpu.memory_space<hbm>>) dst(%dma_wait3A_168 : memref<128x32xf32, #tpu.memory_space<vmem>>)
      %mul3A_177 = arith.constant 2 : i32
      %mul3A_178 = arith.muli %scan3A_147, %mul3A_177 : i32
      %add3A_179 = arith.constant 1 : i32
      %add3A_180 = arith.addi %mul3A_178, %add3A_179 : i32
      %rem3A_181 = arith.constant 2 : i32
      %rem3A_182 = arith.remsi %add3A_180, %rem3A_181 : i32
      %mul3A_183 = arith.constant 128 : i32
      %mul3A_184 = arith.muli %rem3A_182, %mul3A_183 : i32
      %dma_wait3A_185 = arith.constant 0 : i32
      %dma_wait3A_186 = tpu.memref_slice %arg6[%rem3A_149, %mul3A_184, %dma_wait3A_185] : memref<2x256x32xf32, #tpu.memory_space<vmem>> -> memref<1x128x32xf32, #tpu.memory_space<vmem>>
      %dma_wait3A_187 = tpu.memref_squeeze %dma_wait3A_186 : memref<1x128x32xf32, #tpu.memory_space<vmem>> -> memref<128x32xf32, #tpu.memory_space<vmem>>
      %dma_wait3A_188 = arith.constant 0 : i32
      %dma_wait3A_189 = tpu.memref_slice %arg5[%add3A_180, %dma_wait3A_188] : memref<50x128xi32, #tpu.memory_space<vmem>> -> memref<1x128xi32, #tpu.memory_space<vmem>>
      %dma_wait3A_190 = tpu.memref_squeeze %dma_wait3A_189 : memref<1x128xi32, #tpu.memory_space<vmem>> -> memref<128xi32, #tpu.memory_space<vmem>>
      %dma_wait3A_191 = arith.constant 0 : i32
      %dma_wait3A_192 = arith.constant 0 : i32
      %dma_wait3A_193 = tpu.memref_slice %arg2[%dma_wait3A_191, %dma_wait3A_192] : memref<400000x32xf32, #tpu.memory_space<hbm>> -> memref<400000x32xf32, #tpu.memory_space<hbm>>
      %dma_wait3A_194 = tpu.memref_slice %arg8[%rem3A_149] : memref<2x!tpu.dma_semaphore, #tpu.memory_space<semaphore_mem>> -> memref<1x!tpu.dma_semaphore, #tpu.memory_space<semaphore_mem>>
      %dma_wait3A_195 = tpu.memref_squeeze %dma_wait3A_194 : memref<1x!tpu.dma_semaphore, #tpu.memory_space<semaphore_mem>> -> memref<!tpu.dma_semaphore, #tpu.memory_space<semaphore_mem>>
      tpu.wait_indirect_dma semaphore(%dma_wait3A_195 : memref<!tpu.dma_semaphore, #tpu.memory_space<semaphore_mem>>) src(%dma_wait3A_193 : memref<400000x32xf32, #tpu.memory_space<hbm>>) dst(%dma_wait3A_187 : memref<128x32xf32, #tpu.memory_space<vmem>>)
      %ge3A = arith.constant 2 : i32
      %ge3A_196 = arith.cmpi sge, %scan3A_147, %ge3A : i32
      %convert_element_type3A_197 = arith.extui %ge3A_196 : i1 to i32
      %cond3A_198 = arith.constant 0 : i32
      %cond3A_199 = arith.cmpi ne, %convert_element_type3A_197, %cond3A_198 : i32
      scf.if %cond3A_199 {
        %sub3A = arith.constant 2 : i32
        %sub3A_228 = arith.subi %scan3A_147, %sub3A : i32
        %mul3A_229 = arith.constant 2 : i32
        %mul3A_230 = arith.muli %sub3A_228, %mul3A_229 : i32
        %dma_wait3A_231 = arith.constant 0 : i32
        %dma_wait3A_232 = arith.constant 0 : i32
        %dma_wait3A_233 = arith.constant 0 : i32
        %dma_wait3A_234 = arith.constant 0 : i32
        %dma_wait3A_235 = arith.constant 0 : i32
        %dma_wait3A_236 = tpu.memref_slice %arg7[%rem3A_149, %dma_wait3A_231, %dma_wait3A_232, %dma_wait3A_233, %dma_wait3A_234, %dma_wait3A_235] : memref<2x2x4x1x8x128xf32, #tpu.memory_space<vmem>> -> memref<1x2x4x1x8x128xf32, #tpu.memory_space<vmem>>
        %dma_wait3A_237 = tpu.memref_squeeze %dma_wait3A_236 : memref<1x2x4x1x8x128xf32, #tpu.memory_space<vmem>> -> memref<2x4x1x8x128xf32, #tpu.memory_space<vmem>>
        %dma_wait3A_238 = arith.constant 0 : i32
        %dma_wait3A_239 = arith.constant 0 : i32
        %dma_wait3A_240 = arith.constant 0 : i32
        %dma_wait3A_241 = tpu.memref_slice %arg4[%mul3A_230, %dma_wait3A_238, %add3A, %dma_wait3A_239, %dma_wait3A_240] : memref<50x4x32x8x128xf32, #tpu.memory_space<hbm>> -> memref<2x4x1x8x128xf32, #tpu.memory_space<hbm>>
        %dma_wait3A_242 = tpu.memref_slice %arg9[%rem3A_149] : memref<2x!tpu.dma_semaphore, #tpu.memory_space<semaphore_mem>> -> memref<1x!tpu.dma_semaphore, #tpu.memory_space<semaphore_mem>>
        %dma_wait3A_243 = tpu.memref_squeeze %dma_wait3A_242 : memref<1x!tpu.dma_semaphore, #tpu.memory_space<semaphore_mem>> -> memref<!tpu.dma_semaphore, #tpu.memory_space<semaphore_mem>>
        %dma_wait3A_244 = arith.constant 0 : i32
        %dma_wait3A_245 = arith.constant 0 : i32
        %dma_wait3A_246 = arith.constant 0 : i32
        %dma_wait3A_247 = tpu.memref_slice %arg4[%mul3A_230, %dma_wait3A_244, %add3A, %dma_wait3A_245, %dma_wait3A_246] : memref<50x4x32x8x128xf32, #tpu.memory_space<hbm>> -> memref<2x4x1x8x128xf32, #tpu.memory_space<hbm>>
        %dma_wait3A_248 = arith.constant 0 : i32
        %dma_wait3A_249 = arith.constant 0 : i32
        %dma_wait3A_250 = arith.constant 0 : i32
        %dma_wait3A_251 = arith.constant 0 : i32
        %dma_wait3A_252 = arith.constant 0 : i32
        %dma_wait3A_253 = tpu.memref_slice %arg7[%rem3A_149, %dma_wait3A_248, %dma_wait3A_249, %dma_wait3A_250, %dma_wait3A_251, %dma_wait3A_252] : memref<2x2x4x1x8x128xf32, #tpu.memory_space<vmem>> -> memref<1x2x4x1x8x128xf32, #tpu.memory_space<vmem>>
        %dma_wait3A_254 = tpu.memref_squeeze %dma_wait3A_253 : memref<1x2x4x1x8x128xf32, #tpu.memory_space<vmem>> -> memref<2x4x1x8x128xf32, #tpu.memory_space<vmem>>
        tpu.wait_dma2 semaphore(%dma_wait3A_243 : memref<!tpu.dma_semaphore, #tpu.memory_space<semaphore_mem>>) src(%dma_wait3A_254 : memref<2x4x1x8x128xf32, #tpu.memory_space<vmem>>) dst(%dma_wait3A_247 : memref<2x4x1x8x128xf32, #tpu.memory_space<hbm>>)
      } else {
      }
      %parallel_loop3A = arith.constant 0 : i32
      %parallel_loop3A_200 = arith.constant 32 : i32
      %parallel_loop3A_201 = arith.constant 1 : i32
      scf.for %parallel_loop3A_228 = %parallel_loop3A to %parallel_loop3A_200 step %parallel_loop3A_201  : i32 {
        %parallel_loop3A_229 = arith.constant 8 : i32
        %parallel_loop3A_230 = arith.divsi %parallel_loop3A_228, %parallel_loop3A_229 : i32
        %parallel_loop3A_231 = arith.constant 0 : i32
        %parallel_loop3A_232 = arith.cmpi sgt, %parallel_loop3A_228, %parallel_loop3A_231 : i32
        %parallel_loop3A_233 = arith.extui %parallel_loop3A_232 : i1 to i32
        %parallel_loop3A_234 = arith.constant 0 : i32
        %parallel_loop3A_235 = arith.cmpi slt, %parallel_loop3A_228, %parallel_loop3A_234 : i32
        %parallel_loop3A_236 = arith.extui %parallel_loop3A_235 : i1 to i32
        %parallel_loop3A_237 = arith.subi %parallel_loop3A_233, %parallel_loop3A_236 : i32
        %parallel_loop3A_238 = arith.constant 0 : i32
        %parallel_loop3A_239 = arith.cmpi sgt, %parallel_loop3A_229, %parallel_loop3A_238 : i32
        %parallel_loop3A_240 = arith.extui %parallel_loop3A_239 : i1 to i32
        %parallel_loop3A_241 = arith.constant 0 : i32
        %parallel_loop3A_242 = arith.cmpi slt, %parallel_loop3A_229, %parallel_loop3A_241 : i32
        %parallel_loop3A_243 = arith.extui %parallel_loop3A_242 : i1 to i32
        %parallel_loop3A_244 = arith.subi %parallel_loop3A_240, %parallel_loop3A_243 : i32
        %parallel_loop3A_245 = arith.cmpi ne, %parallel_loop3A_237, %parallel_loop3A_244 : i32
        %parallel_loop3A_246 = arith.remsi %parallel_loop3A_228, %parallel_loop3A_229 : i32
        %parallel_loop3A_247 = arith.constant 0 : i32
        %parallel_loop3A_248 = arith.cmpi ne, %parallel_loop3A_246, %parallel_loop3A_247 : i32
        %parallel_loop3A_249 = arith.andi %parallel_loop3A_245, %parallel_loop3A_248 : i1
        %parallel_loop3A_250 = arith.constant 1 : i32
        %parallel_loop3A_251 = arith.subi %parallel_loop3A_230, %parallel_loop3A_250 : i32
        %parallel_loop3A_252 = arith.select %parallel_loop3A_249, %parallel_loop3A_251, %parallel_loop3A_230 : i32
        %parallel_loop3A_253 = arith.constant 8 : i32
        %parallel_loop3A_254 = arith.remsi %parallel_loop3A_228, %parallel_loop3A_253 : i32
        %parallel_loop3A_255 = arith.constant 8 : i32
        %parallel_loop3A_256 = arith.muli %parallel_loop3A_255, %parallel_loop3A_252 : i32
        %parallel_loop3A_257 = arith.addi %parallel_loop3A_256, %parallel_loop3A_254 : i32
        %parallel_loop3A_258 = arith.constant 0 : i32
        %parallel_loop3A_259 = vector.broadcast %parallel_loop3A_258 : i32 to vector<16xi32>
        %parallel_loop3A_260 = vector.broadcast %parallel_loop3A_257 : i32 to vector<16xi32>
        %parallel_loop3A_261 = arith.addi %parallel_loop3A_259, %parallel_loop3A_260 : vector<16xi32>
        %parallel_loop3A_262 = arith.constant 0 : i32
        %parallel_loop3A_263 = arith.constant 0 : i32
        %parallel_loop3A_264 = tpu.memref_slice %arg6[%rem3A_149, %parallel_loop3A_262, %parallel_loop3A_263] : memref<2x256x32xf32, #tpu.memory_space<vmem>> -> memref<1x256x32xf32, #tpu.memory_space<vmem>>
        %parallel_loop3A_265 = tpu.memref_squeeze %parallel_loop3A_264 : memref<1x256x32xf32, #tpu.memory_space<vmem>> -> memref<256x32xf32, #tpu.memory_space<vmem>>
        %parallel_loop3A_266 = tpu.vector_load_idx %parallel_loop3A_265[%add3A_3, %parallel_loop3A_261] : memref<256x32xf32, #tpu.memory_space<vmem>>[vector<16xi32>, vector<16xi32>], vector<16xf32>,
        %parallel_loop3A_267 = arith.constant 0 : i32
        %parallel_loop3A_268 = arith.constant 0 : i32
        %parallel_loop3A_269 = arith.index_cast %rem3A_149 : i32 to index
        %parallel_loop3A_270 = arith.index_cast %parallel_loop3A_267 : i32 to index
        %parallel_loop3A_271 = arith.index_cast %parallel_loop3A_252 : i32 to index
        %parallel_loop3A_272 = arith.index_cast %parallel_loop3A_268 : i32 to index
        %parallel_loop3A_273 = arith.index_cast %parallel_loop3A_254 : i32 to index
        %parallel_loop3A_274 = arith.constant 0 : index
        %parallel_loop3A_275 = tpu.vector_load %arg7[%parallel_loop3A_269, %parallel_loop3A_270, %parallel_loop3A_271, %parallel_loop3A_272, %parallel_loop3A_273, %parallel_loop3A_274] {strides = array<i32>} : memref<2x2x4x1x8x128xf32, #tpu.memory_space<vmem>>, vector<16xf32>,
        tpu.vector_store %arg7[%parallel_loop3A_269, %parallel_loop3A_270, %parallel_loop3A_271, %parallel_loop3A_272, %parallel_loop3A_273, %parallel_loop3A_274], %parallel_loop3A_266 {strides = array<i32>} : memref<2x2x4x1x8x128xf32, #tpu.memory_space<vmem>>, vector<16xf32>,
        %parallel_loop3A_276 = arith.constant 0 : i32
        %parallel_loop3A_277 = arith.constant 0 : i32
        %parallel_loop3A_278 = tpu.memref_slice %arg6[%rem3A_149, %parallel_loop3A_276, %parallel_loop3A_277] : memref<2x256x32xf32, #tpu.memory_space<vmem>> -> memref<1x256x32xf32, #tpu.memory_space<vmem>>
        %parallel_loop3A_279 = tpu.memref_squeeze %parallel_loop3A_278 : memref<1x256x32xf32, #tpu.memory_space<vmem>> -> memref<256x32xf32, #tpu.memory_space<vmem>>
        %parallel_loop3A_280 = tpu.vector_load_idx %parallel_loop3A_279[%add3A_6, %parallel_loop3A_261] : memref<256x32xf32, #tpu.memory_space<vmem>>[vector<16xi32>, vector<16xi32>], vector<16xf32>,
        %parallel_loop3A_281 = arith.constant 0 : i32
        %parallel_loop3A_282 = arith.constant 0 : i32
        %parallel_loop3A_283 = arith.index_cast %rem3A_149 : i32 to index
        %parallel_loop3A_284 = arith.index_cast %parallel_loop3A_281 : i32 to index
        %parallel_loop3A_285 = arith.index_cast %parallel_loop3A_252 : i32 to index
        %parallel_loop3A_286 = arith.index_cast %parallel_loop3A_282 : i32 to index
        %parallel_loop3A_287 = arith.index_cast %parallel_loop3A_254 : i32 to index
        %parallel_loop3A_288 = arith.constant 16 : index
        %parallel_loop3A_289 = tpu.vector_load %arg7[%parallel_loop3A_283, %parallel_loop3A_284, %parallel_loop3A_285, %parallel_loop3A_286, %parallel_loop3A_287, %parallel_loop3A_288] {strides = array<i32>} : memref<2x2x4x1x8x128xf32, #tpu.memory_space<vmem>>, vector<16xf32>,
        tpu.vector_store %arg7[%parallel_loop3A_283, %parallel_loop3A_284, %parallel_loop3A_285, %parallel_loop3A_286, %parallel_loop3A_287, %parallel_loop3A_288], %parallel_loop3A_280 {strides = array<i32>} : memref<2x2x4x1x8x128xf32, #tpu.memory_space<vmem>>, vector<16xf32>,
        %parallel_loop3A_290 = arith.constant 0 : i32
        %parallel_loop3A_291 = arith.constant 0 : i32
        %parallel_loop3A_292 = tpu.memref_slice %arg6[%rem3A_149, %parallel_loop3A_290, %parallel_loop3A_291] : memref<2x256x32xf32, #tpu.memory_space<vmem>> -> memref<1x256x32xf32, #tpu.memory_space<vmem>>
        %parallel_loop3A_293 = tpu.memref_squeeze %parallel_loop3A_292 : memref<1x256x32xf32, #tpu.memory_space<vmem>> -> memref<256x32xf32, #tpu.memory_space<vmem>>
        %parallel_loop3A_294 = tpu.vector_load_idx %parallel_loop3A_293[%add3A_9, %parallel_loop3A_261] : memref<256x32xf32, #tpu.memory_space<vmem>>[vector<16xi32>, vector<16xi32>], vector<16xf32>,
        %parallel_loop3A_295 = arith.constant 0 : i32
        %parallel_loop3A_296 = arith.constant 0 : i32
        %parallel_loop3A_297 = arith.index_cast %rem3A_149 : i32 to index
        %parallel_loop3A_298 = arith.index_cast %parallel_loop3A_295 : i32 to index
        %parallel_loop3A_299 = arith.index_cast %parallel_loop3A_252 : i32 to index
        %parallel_loop3A_300 = arith.index_cast %parallel_loop3A_296 : i32 to index
        %parallel_loop3A_301 = arith.index_cast %parallel_loop3A_254 : i32 to index
        %parallel_loop3A_302 = arith.constant 32 : index
        %parallel_loop3A_303 = tpu.vector_load %arg7[%parallel_loop3A_297, %parallel_loop3A_298, %parallel_loop3A_299, %parallel_loop3A_300, %parallel_loop3A_301, %parallel_loop3A_302] {strides = array<i32>} : memref<2x2x4x1x8x128xf32, #tpu.memory_space<vmem>>, vector<16xf32>,
        tpu.vector_store %arg7[%parallel_loop3A_297, %parallel_loop3A_298, %parallel_loop3A_299, %parallel_loop3A_300, %parallel_loop3A_301, %parallel_loop3A_302], %parallel_loop3A_294 {strides = array<i32>} : memref<2x2x4x1x8x128xf32, #tpu.memory_space<vmem>>, vector<16xf32>,
        %parallel_loop3A_304 = arith.constant 0 : i32
        %parallel_loop3A_305 = arith.constant 0 : i32
        %parallel_loop3A_306 = tpu.memref_slice %arg6[%rem3A_149, %parallel_loop3A_304, %parallel_loop3A_305] : memref<2x256x32xf32, #tpu.memory_space<vmem>> -> memref<1x256x32xf32, #tpu.memory_space<vmem>>
        %parallel_loop3A_307 = tpu.memref_squeeze %parallel_loop3A_306 : memref<1x256x32xf32, #tpu.memory_space<vmem>> -> memref<256x32xf32, #tpu.memory_space<vmem>>
        %parallel_loop3A_308 = tpu.vector_load_idx %parallel_loop3A_307[%add3A_12, %parallel_loop3A_261] : memref<256x32xf32, #tpu.memory_space<vmem>>[vector<16xi32>, vector<16xi32>], vector<16xf32>,
        %parallel_loop3A_309 = arith.constant 0 : i32
        %parallel_loop3A_310 = arith.constant 0 : i32
        %parallel_loop3A_311 = arith.index_cast %rem3A_149 : i32 to index
        %parallel_loop3A_312 = arith.index_cast %parallel_loop3A_309 : i32 to index
        %parallel_loop3A_313 = arith.index_cast %parallel_loop3A_252 : i32 to index
        %parallel_loop3A_314 = arith.index_cast %parallel_loop3A_310 : i32 to index
        %parallel_loop3A_315 = arith.index_cast %parallel_loop3A_254 : i32 to index
        %parallel_loop3A_316 = arith.constant 48 : index
        %parallel_loop3A_317 = tpu.vector_load %arg7[%parallel_loop3A_311, %parallel_loop3A_312, %parallel_loop3A_313, %parallel_loop3A_314, %parallel_loop3A_315, %parallel_loop3A_316] {strides = array<i32>} : memref<2x2x4x1x8x128xf32, #tpu.memory_space<vmem>>, vector<16xf32>,
        tpu.vector_store %arg7[%parallel_loop3A_311, %parallel_loop3A_312, %parallel_loop3A_313, %parallel_loop3A_314, %parallel_loop3A_315, %parallel_loop3A_316], %parallel_loop3A_308 {strides = array<i32>} : memref<2x2x4x1x8x128xf32, #tpu.memory_space<vmem>>, vector<16xf32>,
        %parallel_loop3A_318 = arith.constant 0 : i32
        %parallel_loop3A_319 = arith.constant 0 : i32
        %parallel_loop3A_320 = tpu.memref_slice %arg6[%rem3A_149, %parallel_loop3A_318, %parallel_loop3A_319] : memref<2x256x32xf32, #tpu.memory_space<vmem>> -> memref<1x256x32xf32, #tpu.memory_space<vmem>>
        %parallel_loop3A_321 = tpu.memref_squeeze %parallel_loop3A_320 : memref<1x256x32xf32, #tpu.memory_space<vmem>> -> memref<256x32xf32, #tpu.memory_space<vmem>>
        %parallel_loop3A_322 = tpu.vector_load_idx %parallel_loop3A_321[%add3A_15, %parallel_loop3A_261] : memref<256x32xf32, #tpu.memory_space<vmem>>[vector<16xi32>, vector<16xi32>], vector<16xf32>,
        %parallel_loop3A_323 = arith.constant 0 : i32
        %parallel_loop3A_324 = arith.constant 0 : i32
        %parallel_loop3A_325 = arith.index_cast %rem3A_149 : i32 to index
        %parallel_loop3A_326 = arith.index_cast %parallel_loop3A_323 : i32 to index
        %parallel_loop3A_327 = arith.index_cast %parallel_loop3A_252 : i32 to index
        %parallel_loop3A_328 = arith.index_cast %parallel_loop3A_324 : i32 to index
        %parallel_loop3A_329 = arith.index_cast %parallel_loop3A_254 : i32 to index
        %parallel_loop3A_330 = arith.constant 64 : index
        %parallel_loop3A_331 = tpu.vector_load %arg7[%parallel_loop3A_325, %parallel_loop3A_326, %parallel_loop3A_327, %parallel_loop3A_328, %parallel_loop3A_329, %parallel_loop3A_330] {strides = array<i32>} : memref<2x2x4x1x8x128xf32, #tpu.memory_space<vmem>>, vector<16xf32>,
        tpu.vector_store %arg7[%parallel_loop3A_325, %parallel_loop3A_326, %parallel_loop3A_327, %parallel_loop3A_328, %parallel_loop3A_329, %parallel_loop3A_330], %parallel_loop3A_322 {strides = array<i32>} : memref<2x2x4x1x8x128xf32, #tpu.memory_space<vmem>>, vector<16xf32>,
        %parallel_loop3A_332 = arith.constant 0 : i32
        %parallel_loop3A_333 = arith.constant 0 : i32
        %parallel_loop3A_334 = tpu.memref_slice %arg6[%rem3A_149, %parallel_loop3A_332, %parallel_loop3A_333] : memref<2x256x32xf32, #tpu.memory_space<vmem>> -> memref<1x256x32xf32, #tpu.memory_space<vmem>>
        %parallel_loop3A_335 = tpu.memref_squeeze %parallel_loop3A_334 : memref<1x256x32xf32, #tpu.memory_space<vmem>> -> memref<256x32xf32, #tpu.memory_space<vmem>>
        %parallel_loop3A_336 = tpu.vector_load_idx %parallel_loop3A_335[%add3A_18, %parallel_loop3A_261] : memref<256x32xf32, #tpu.memory_space<vmem>>[vector<16xi32>, vector<16xi32>], vector<16xf32>,
        %parallel_loop3A_337 = arith.constant 0 : i32
        %parallel_loop3A_338 = arith.constant 0 : i32
        %parallel_loop3A_339 = arith.index_cast %rem3A_149 : i32 to index
        %parallel_loop3A_340 = arith.index_cast %parallel_loop3A_337 : i32 to index
        %parallel_loop3A_341 = arith.index_cast %parallel_loop3A_252 : i32 to index
        %parallel_loop3A_342 = arith.index_cast %parallel_loop3A_338 : i32 to index
        %parallel_loop3A_343 = arith.index_cast %parallel_loop3A_254 : i32 to index
        %parallel_loop3A_344 = arith.constant 80 : index
        %parallel_loop3A_345 = tpu.vector_load %arg7[%parallel_loop3A_339, %parallel_loop3A_340, %parallel_loop3A_341, %parallel_loop3A_342, %parallel_loop3A_343, %parallel_loop3A_344] {strides = array<i32>} : memref<2x2x4x1x8x128xf32, #tpu.memory_space<vmem>>, vector<16xf32>,
        tpu.vector_store %arg7[%parallel_loop3A_339, %parallel_loop3A_340, %parallel_loop3A_341, %parallel_loop3A_342, %parallel_loop3A_343, %parallel_loop3A_344], %parallel_loop3A_336 {strides = array<i32>} : memref<2x2x4x1x8x128xf32, #tpu.memory_space<vmem>>, vector<16xf32>,
        %parallel_loop3A_346 = arith.constant 0 : i32
        %parallel_loop3A_347 = arith.constant 0 : i32
        %parallel_loop3A_348 = tpu.memref_slice %arg6[%rem3A_149, %parallel_loop3A_346, %parallel_loop3A_347] : memref<2x256x32xf32, #tpu.memory_space<vmem>> -> memref<1x256x32xf32, #tpu.memory_space<vmem>>
        %parallel_loop3A_349 = tpu.memref_squeeze %parallel_loop3A_348 : memref<1x256x32xf32, #tpu.memory_space<vmem>> -> memref<256x32xf32, #tpu.memory_space<vmem>>
        %parallel_loop3A_350 = tpu.vector_load_idx %parallel_loop3A_349[%add3A_21, %parallel_loop3A_261] : memref<256x32xf32, #tpu.memory_space<vmem>>[vector<16xi32>, vector<16xi32>], vector<16xf32>,
        %parallel_loop3A_351 = arith.constant 0 : i32
        %parallel_loop3A_352 = arith.constant 0 : i32
        %parallel_loop3A_353 = arith.index_cast %rem3A_149 : i32 to index
        %parallel_loop3A_354 = arith.index_cast %parallel_loop3A_351 : i32 to index
        %parallel_loop3A_355 = arith.index_cast %parallel_loop3A_252 : i32 to index
        %parallel_loop3A_356 = arith.index_cast %parallel_loop3A_352 : i32 to index
        %parallel_loop3A_357 = arith.index_cast %parallel_loop3A_254 : i32 to index
        %parallel_loop3A_358 = arith.constant 96 : index
        %parallel_loop3A_359 = tpu.vector_load %arg7[%parallel_loop3A_353, %parallel_loop3A_354, %parallel_loop3A_355, %parallel_loop3A_356, %parallel_loop3A_357, %parallel_loop3A_358] {strides = array<i32>} : memref<2x2x4x1x8x128xf32, #tpu.memory_space<vmem>>, vector<16xf32>,
        tpu.vector_store %arg7[%parallel_loop3A_353, %parallel_loop3A_354, %parallel_loop3A_355, %parallel_loop3A_356, %parallel_loop3A_357, %parallel_loop3A_358], %parallel_loop3A_350 {strides = array<i32>} : memref<2x2x4x1x8x128xf32, #tpu.memory_space<vmem>>, vector<16xf32>,
        %parallel_loop3A_360 = arith.constant 0 : i32
        %parallel_loop3A_361 = arith.constant 0 : i32
        %parallel_loop3A_362 = tpu.memref_slice %arg6[%rem3A_149, %parallel_loop3A_360, %parallel_loop3A_361] : memref<2x256x32xf32, #tpu.memory_space<vmem>> -> memref<1x256x32xf32, #tpu.memory_space<vmem>>
        %parallel_loop3A_363 = tpu.memref_squeeze %parallel_loop3A_362 : memref<1x256x32xf32, #tpu.memory_space<vmem>> -> memref<256x32xf32, #tpu.memory_space<vmem>>
        %parallel_loop3A_364 = tpu.vector_load_idx %parallel_loop3A_363[%add3A_24, %parallel_loop3A_261] : memref<256x32xf32, #tpu.memory_space<vmem>>[vector<16xi32>, vector<16xi32>], vector<16xf32>,
        %parallel_loop3A_365 = arith.constant 0 : i32
        %parallel_loop3A_366 = arith.constant 0 : i32
        %parallel_loop3A_367 = arith.index_cast %rem3A_149 : i32 to index
        %parallel_loop3A_368 = arith.index_cast %parallel_loop3A_365 : i32 to index
        %parallel_loop3A_369 = arith.index_cast %parallel_loop3A_252 : i32 to index
        %parallel_loop3A_370 = arith.index_cast %parallel_loop3A_366 : i32 to index
        %parallel_loop3A_371 = arith.index_cast %parallel_loop3A_254 : i32 to index
        %parallel_loop3A_372 = arith.constant 112 : index
        %parallel_loop3A_373 = tpu.vector_load %arg7[%parallel_loop3A_367, %parallel_loop3A_368, %parallel_loop3A_369, %parallel_loop3A_370, %parallel_loop3A_371, %parallel_loop3A_372] {strides = array<i32>} : memref<2x2x4x1x8x128xf32, #tpu.memory_space<vmem>>, vector<16xf32>,
        tpu.vector_store %arg7[%parallel_loop3A_367, %parallel_loop3A_368, %parallel_loop3A_369, %parallel_loop3A_370, %parallel_loop3A_371, %parallel_loop3A_372], %parallel_loop3A_364 {strides = array<i32>} : memref<2x2x4x1x8x128xf32, #tpu.memory_space<vmem>>, vector<16xf32>,
        %parallel_loop3A_374 = arith.constant 0 : i32
        %parallel_loop3A_375 = arith.constant 0 : i32
        %parallel_loop3A_376 = tpu.memref_slice %arg6[%rem3A_149, %parallel_loop3A_374, %parallel_loop3A_375] : memref<2x256x32xf32, #tpu.memory_space<vmem>> -> memref<1x256x32xf32, #tpu.memory_space<vmem>>
        %parallel_loop3A_377 = tpu.memref_squeeze %parallel_loop3A_376 : memref<1x256x32xf32, #tpu.memory_space<vmem>> -> memref<256x32xf32, #tpu.memory_space<vmem>>
        %parallel_loop3A_378 = tpu.vector_load_idx %parallel_loop3A_377[%add3A_27, %parallel_loop3A_261] : memref<256x32xf32, #tpu.memory_space<vmem>>[vector<16xi32>, vector<16xi32>], vector<16xf32>,
        %parallel_loop3A_379 = arith.constant 1 : i32
        %parallel_loop3A_380 = arith.constant 0 : i32
        %parallel_loop3A_381 = arith.index_cast %rem3A_149 : i32 to index
        %parallel_loop3A_382 = arith.index_cast %parallel_loop3A_379 : i32 to index
        %parallel_loop3A_383 = arith.index_cast %parallel_loop3A_252 : i32 to index
        %parallel_loop3A_384 = arith.index_cast %parallel_loop3A_380 : i32 to index
        %parallel_loop3A_385 = arith.index_cast %parallel_loop3A_254 : i32 to index
        %parallel_loop3A_386 = arith.constant 0 : index
        %parallel_loop3A_387 = tpu.vector_load %arg7[%parallel_loop3A_381, %parallel_loop3A_382, %parallel_loop3A_383, %parallel_loop3A_384, %parallel_loop3A_385, %parallel_loop3A_386] {strides = array<i32>} : memref<2x2x4x1x8x128xf32, #tpu.memory_space<vmem>>, vector<16xf32>,
        tpu.vector_store %arg7[%parallel_loop3A_381, %parallel_loop3A_382, %parallel_loop3A_383, %parallel_loop3A_384, %parallel_loop3A_385, %parallel_loop3A_386], %parallel_loop3A_378 {strides = array<i32>} : memref<2x2x4x1x8x128xf32, #tpu.memory_space<vmem>>, vector<16xf32>,
        %parallel_loop3A_388 = arith.constant 0 : i32
        %parallel_loop3A_389 = arith.constant 0 : i32
        %parallel_loop3A_390 = tpu.memref_slice %arg6[%rem3A_149, %parallel_loop3A_388, %parallel_loop3A_389] : memref<2x256x32xf32, #tpu.memory_space<vmem>> -> memref<1x256x32xf32, #tpu.memory_space<vmem>>
        %parallel_loop3A_391 = tpu.memref_squeeze %parallel_loop3A_390 : memref<1x256x32xf32, #tpu.memory_space<vmem>> -> memref<256x32xf32, #tpu.memory_space<vmem>>
        %parallel_loop3A_392 = tpu.vector_load_idx %parallel_loop3A_391[%add3A_30, %parallel_loop3A_261] : memref<256x32xf32, #tpu.memory_space<vmem>>[vector<16xi32>, vector<16xi32>], vector<16xf32>,
        %parallel_loop3A_393 = arith.constant 1 : i32
        %parallel_loop3A_394 = arith.constant 0 : i32
        %parallel_loop3A_395 = arith.index_cast %rem3A_149 : i32 to index
        %parallel_loop3A_396 = arith.index_cast %parallel_loop3A_393 : i32 to index
        %parallel_loop3A_397 = arith.index_cast %parallel_loop3A_252 : i32 to index
        %parallel_loop3A_398 = arith.index_cast %parallel_loop3A_394 : i32 to index
        %parallel_loop3A_399 = arith.index_cast %parallel_loop3A_254 : i32 to index
        %parallel_loop3A_400 = arith.constant 16 : index
        %parallel_loop3A_401 = tpu.vector_load %arg7[%parallel_loop3A_395, %parallel_loop3A_396, %parallel_loop3A_397, %parallel_loop3A_398, %parallel_loop3A_399, %parallel_loop3A_400] {strides = array<i32>} : memref<2x2x4x1x8x128xf32, #tpu.memory_space<vmem>>, vector<16xf32>,
        tpu.vector_store %arg7[%parallel_loop3A_395, %parallel_loop3A_396, %parallel_loop3A_397, %parallel_loop3A_398, %parallel_loop3A_399, %parallel_loop3A_400], %parallel_loop3A_392 {strides = array<i32>} : memref<2x2x4x1x8x128xf32, #tpu.memory_space<vmem>>, vector<16xf32>,
        %parallel_loop3A_402 = arith.constant 0 : i32
        %parallel_loop3A_403 = arith.constant 0 : i32
        %parallel_loop3A_404 = tpu.memref_slice %arg6[%rem3A_149, %parallel_loop3A_402, %parallel_loop3A_403] : memref<2x256x32xf32, #tpu.memory_space<vmem>> -> memref<1x256x32xf32, #tpu.memory_space<vmem>>
        %parallel_loop3A_405 = tpu.memref_squeeze %parallel_loop3A_404 : memref<1x256x32xf32, #tpu.memory_space<vmem>> -> memref<256x32xf32, #tpu.memory_space<vmem>>
        %parallel_loop3A_406 = tpu.vector_load_idx %parallel_loop3A_405[%add3A_33, %parallel_loop3A_261] : memref<256x32xf32, #tpu.memory_space<vmem>>[vector<16xi32>, vector<16xi32>], vector<16xf32>,
        %parallel_loop3A_407 = arith.constant 1 : i32
        %parallel_loop3A_408 = arith.constant 0 : i32
        %parallel_loop3A_409 = arith.index_cast %rem3A_149 : i32 to index
        %parallel_loop3A_410 = arith.index_cast %parallel_loop3A_407 : i32 to index
        %parallel_loop3A_411 = arith.index_cast %parallel_loop3A_252 : i32 to index
        %parallel_loop3A_412 = arith.index_cast %parallel_loop3A_408 : i32 to index
        %parallel_loop3A_413 = arith.index_cast %parallel_loop3A_254 : i32 to index
        %parallel_loop3A_414 = arith.constant 32 : index
        %parallel_loop3A_415 = tpu.vector_load %arg7[%parallel_loop3A_409, %parallel_loop3A_410, %parallel_loop3A_411, %parallel_loop3A_412, %parallel_loop3A_413, %parallel_loop3A_414] {strides = array<i32>} : memref<2x2x4x1x8x128xf32, #tpu.memory_space<vmem>>, vector<16xf32>,
        tpu.vector_store %arg7[%parallel_loop3A_409, %parallel_loop3A_410, %parallel_loop3A_411, %parallel_loop3A_412, %parallel_loop3A_413, %parallel_loop3A_414], %parallel_loop3A_406 {strides = array<i32>} : memref<2x2x4x1x8x128xf32, #tpu.memory_space<vmem>>, vector<16xf32>,
        %parallel_loop3A_416 = arith.constant 0 : i32
        %parallel_loop3A_417 = arith.constant 0 : i32
        %parallel_loop3A_418 = tpu.memref_slice %arg6[%rem3A_149, %parallel_loop3A_416, %parallel_loop3A_417] : memref<2x256x32xf32, #tpu.memory_space<vmem>> -> memref<1x256x32xf32, #tpu.memory_space<vmem>>
        %parallel_loop3A_419 = tpu.memref_squeeze %parallel_loop3A_418 : memref<1x256x32xf32, #tpu.memory_space<vmem>> -> memref<256x32xf32, #tpu.memory_space<vmem>>
        %parallel_loop3A_420 = tpu.vector_load_idx %parallel_loop3A_419[%add3A_36, %parallel_loop3A_261] : memref<256x32xf32, #tpu.memory_space<vmem>>[vector<16xi32>, vector<16xi32>], vector<16xf32>,
        %parallel_loop3A_421 = arith.constant 1 : i32
        %parallel_loop3A_422 = arith.constant 0 : i32
        %parallel_loop3A_423 = arith.index_cast %rem3A_149 : i32 to index
        %parallel_loop3A_424 = arith.index_cast %parallel_loop3A_421 : i32 to index
        %parallel_loop3A_425 = arith.index_cast %parallel_loop3A_252 : i32 to index
        %parallel_loop3A_426 = arith.index_cast %parallel_loop3A_422 : i32 to index
        %parallel_loop3A_427 = arith.index_cast %parallel_loop3A_254 : i32 to index
        %parallel_loop3A_428 = arith.constant 48 : index
        %parallel_loop3A_429 = tpu.vector_load %arg7[%parallel_loop3A_423, %parallel_loop3A_424, %parallel_loop3A_425, %parallel_loop3A_426, %parallel_loop3A_427, %parallel_loop3A_428] {strides = array<i32>} : memref<2x2x4x1x8x128xf32, #tpu.memory_space<vmem>>, vector<16xf32>,
        tpu.vector_store %arg7[%parallel_loop3A_423, %parallel_loop3A_424, %parallel_loop3A_425, %parallel_loop3A_426, %parallel_loop3A_427, %parallel_loop3A_428], %parallel_loop3A_420 {strides = array<i32>} : memref<2x2x4x1x8x128xf32, #tpu.memory_space<vmem>>, vector<16xf32>,
        %parallel_loop3A_430 = arith.constant 0 : i32
        %parallel_loop3A_431 = arith.constant 0 : i32
        %parallel_loop3A_432 = tpu.memref_slice %arg6[%rem3A_149, %parallel_loop3A_430, %parallel_loop3A_431] : memref<2x256x32xf32, #tpu.memory_space<vmem>> -> memref<1x256x32xf32, #tpu.memory_space<vmem>>
        %parallel_loop3A_433 = tpu.memref_squeeze %parallel_loop3A_432 : memref<1x256x32xf32, #tpu.memory_space<vmem>> -> memref<256x32xf32, #tpu.memory_space<vmem>>
        %parallel_loop3A_434 = tpu.vector_load_idx %parallel_loop3A_433[%add3A_39, %parallel_loop3A_261] : memref<256x32xf32, #tpu.memory_space<vmem>>[vector<16xi32>, vector<16xi32>], vector<16xf32>,
        %parallel_loop3A_435 = arith.constant 1 : i32
        %parallel_loop3A_436 = arith.constant 0 : i32
        %parallel_loop3A_437 = arith.index_cast %rem3A_149 : i32 to index
        %parallel_loop3A_438 = arith.index_cast %parallel_loop3A_435 : i32 to index
        %parallel_loop3A_439 = arith.index_cast %parallel_loop3A_252 : i32 to index
        %parallel_loop3A_440 = arith.index_cast %parallel_loop3A_436 : i32 to index
        %parallel_loop3A_441 = arith.index_cast %parallel_loop3A_254 : i32 to index
        %parallel_loop3A_442 = arith.constant 64 : index
        %parallel_loop3A_443 = tpu.vector_load %arg7[%parallel_loop3A_437, %parallel_loop3A_438, %parallel_loop3A_439, %parallel_loop3A_440, %parallel_loop3A_441, %parallel_loop3A_442] {strides = array<i32>} : memref<2x2x4x1x8x128xf32, #tpu.memory_space<vmem>>, vector<16xf32>,
        tpu.vector_store %arg7[%parallel_loop3A_437, %parallel_loop3A_438, %parallel_loop3A_439, %parallel_loop3A_440, %parallel_loop3A_441, %parallel_loop3A_442], %parallel_loop3A_434 {strides = array<i32>} : memref<2x2x4x1x8x128xf32, #tpu.memory_space<vmem>>, vector<16xf32>,
        %parallel_loop3A_444 = arith.constant 0 : i32
        %parallel_loop3A_445 = arith.constant 0 : i32
        %parallel_loop3A_446 = tpu.memref_slice %arg6[%rem3A_149, %parallel_loop3A_444, %parallel_loop3A_445] : memref<2x256x32xf32, #tpu.memory_space<vmem>> -> memref<1x256x32xf32, #tpu.memory_space<vmem>>
        %parallel_loop3A_447 = tpu.memref_squeeze %parallel_loop3A_446 : memref<1x256x32xf32, #tpu.memory_space<vmem>> -> memref<256x32xf32, #tpu.memory_space<vmem>>
        %parallel_loop3A_448 = tpu.vector_load_idx %parallel_loop3A_447[%add3A_42, %parallel_loop3A_261] : memref<256x32xf32, #tpu.memory_space<vmem>>[vector<16xi32>, vector<16xi32>], vector<16xf32>,
        %parallel_loop3A_449 = arith.constant 1 : i32
        %parallel_loop3A_450 = arith.constant 0 : i32
        %parallel_loop3A_451 = arith.index_cast %rem3A_149 : i32 to index
        %parallel_loop3A_452 = arith.index_cast %parallel_loop3A_449 : i32 to index
        %parallel_loop3A_453 = arith.index_cast %parallel_loop3A_252 : i32 to index
        %parallel_loop3A_454 = arith.index_cast %parallel_loop3A_450 : i32 to index
        %parallel_loop3A_455 = arith.index_cast %parallel_loop3A_254 : i32 to index
        %parallel_loop3A_456 = arith.constant 80 : index
        %parallel_loop3A_457 = tpu.vector_load %arg7[%parallel_loop3A_451, %parallel_loop3A_452, %parallel_loop3A_453, %parallel_loop3A_454, %parallel_loop3A_455, %parallel_loop3A_456] {strides = array<i32>} : memref<2x2x4x1x8x128xf32, #tpu.memory_space<vmem>>, vector<16xf32>,
        tpu.vector_store %arg7[%parallel_loop3A_451, %parallel_loop3A_452, %parallel_loop3A_453, %parallel_loop3A_454, %parallel_loop3A_455, %parallel_loop3A_456], %parallel_loop3A_448 {strides = array<i32>} : memref<2x2x4x1x8x128xf32, #tpu.memory_space<vmem>>, vector<16xf32>,
        %parallel_loop3A_458 = arith.constant 0 : i32
        %parallel_loop3A_459 = arith.constant 0 : i32
        %parallel_loop3A_460 = tpu.memref_slice %arg6[%rem3A_149, %parallel_loop3A_458, %parallel_loop3A_459] : memref<2x256x32xf32, #tpu.memory_space<vmem>> -> memref<1x256x32xf32, #tpu.memory_space<vmem>>
        %parallel_loop3A_461 = tpu.memref_squeeze %parallel_loop3A_460 : memref<1x256x32xf32, #tpu.memory_space<vmem>> -> memref<256x32xf32, #tpu.memory_space<vmem>>
        %parallel_loop3A_462 = tpu.vector_load_idx %parallel_loop3A_461[%add3A_45, %parallel_loop3A_261] : memref<256x32xf32, #tpu.memory_space<vmem>>[vector<16xi32>, vector<16xi32>], vector<16xf32>,
        %parallel_loop3A_463 = arith.constant 1 : i32
        %parallel_loop3A_464 = arith.constant 0 : i32
        %parallel_loop3A_465 = arith.index_cast %rem3A_149 : i32 to index
        %parallel_loop3A_466 = arith.index_cast %parallel_loop3A_463 : i32 to index
        %parallel_loop3A_467 = arith.index_cast %parallel_loop3A_252 : i32 to index
        %parallel_loop3A_468 = arith.index_cast %parallel_loop3A_464 : i32 to index
        %parallel_loop3A_469 = arith.index_cast %parallel_loop3A_254 : i32 to index
        %parallel_loop3A_470 = arith.constant 96 : index
        %parallel_loop3A_471 = tpu.vector_load %arg7[%parallel_loop3A_465, %parallel_loop3A_466, %parallel_loop3A_467, %parallel_loop3A_468, %parallel_loop3A_469, %parallel_loop3A_470] {strides = array<i32>} : memref<2x2x4x1x8x128xf32, #tpu.memory_space<vmem>>, vector<16xf32>,
        tpu.vector_store %arg7[%parallel_loop3A_465, %parallel_loop3A_466, %parallel_loop3A_467, %parallel_loop3A_468, %parallel_loop3A_469, %parallel_loop3A_470], %parallel_loop3A_462 {strides = array<i32>} : memref<2x2x4x1x8x128xf32, #tpu.memory_space<vmem>>, vector<16xf32>,
        %parallel_loop3A_472 = arith.constant 0 : i32
        %parallel_loop3A_473 = arith.constant 0 : i32
        %parallel_loop3A_474 = tpu.memref_slice %arg6[%rem3A_149, %parallel_loop3A_472, %parallel_loop3A_473] : memref<2x256x32xf32, #tpu.memory_space<vmem>> -> memref<1x256x32xf32, #tpu.memory_space<vmem>>
        %parallel_loop3A_475 = tpu.memref_squeeze %parallel_loop3A_474 : memref<1x256x32xf32, #tpu.memory_space<vmem>> -> memref<256x32xf32, #tpu.memory_space<vmem>>
        %parallel_loop3A_476 = tpu.vector_load_idx %parallel_loop3A_475[%add3A_48, %parallel_loop3A_261] : memref<256x32xf32, #tpu.memory_space<vmem>>[vector<16xi32>, vector<16xi32>], vector<16xf32>,
        %parallel_loop3A_477 = arith.constant 1 : i32
        %parallel_loop3A_478 = arith.constant 0 : i32
        %parallel_loop3A_479 = arith.index_cast %rem3A_149 : i32 to index
        %parallel_loop3A_480 = arith.index_cast %parallel_loop3A_477 : i32 to index
        %parallel_loop3A_481 = arith.index_cast %parallel_loop3A_252 : i32 to index
        %parallel_loop3A_482 = arith.index_cast %parallel_loop3A_478 : i32 to index
        %parallel_loop3A_483 = arith.index_cast %parallel_loop3A_254 : i32 to index
        %parallel_loop3A_484 = arith.constant 112 : index
        %parallel_loop3A_485 = tpu.vector_load %arg7[%parallel_loop3A_479, %parallel_loop3A_480, %parallel_loop3A_481, %parallel_loop3A_482, %parallel_loop3A_483, %parallel_loop3A_484] {strides = array<i32>} : memref<2x2x4x1x8x128xf32, #tpu.memory_space<vmem>>, vector<16xf32>,
        tpu.vector_store %arg7[%parallel_loop3A_479, %parallel_loop3A_480, %parallel_loop3A_481, %parallel_loop3A_482, %parallel_loop3A_483, %parallel_loop3A_484], %parallel_loop3A_476 {strides = array<i32>} : memref<2x2x4x1x8x128xf32, #tpu.memory_space<vmem>>, vector<16xf32>,
      } {sc.loop_unroll_factor = 4 : i64, sc.parallel_access}
      %mul3A_202 = arith.constant 2 : i32
      %mul3A_203 = arith.muli %scan3A_147, %mul3A_202 : i32
      %dma_start3A_204 = arith.constant 0 : i32
      %dma_start3A_205 = arith.constant 0 : i32
      %dma_start3A_206 = arith.constant 0 : i32
      %dma_start3A_207 = arith.constant 0 : i32
      %dma_start3A_208 = arith.constant 0 : i32
      %dma_start3A_209 = tpu.memref_slice %arg7[%rem3A_149, %dma_start3A_204, %dma_start3A_205, %dma_start3A_206, %dma_start3A_207, %dma_start3A_208] : memref<2x2x4x1x8x128xf32, #tpu.memory_space<vmem>> -> memref<1x2x4x1x8x128xf32, #tpu.memory_space<vmem>>
      %dma_start3A_210 = tpu.memref_squeeze %dma_start3A_209 : memref<1x2x4x1x8x128xf32, #tpu.memory_space<vmem>> -> memref<2x4x1x8x128xf32, #tpu.memory_space<vmem>>
      %dma_start3A_211 = arith.constant 0 : i32
      %dma_start3A_212 = arith.constant 0 : i32
      %dma_start3A_213 = arith.constant 0 : i32
      %dma_start3A_214 = tpu.memref_slice %arg4[%mul3A_203, %dma_start3A_211, %add3A, %dma_start3A_212, %dma_start3A_213] : memref<50x4x32x8x128xf32, #tpu.memory_space<hbm>> -> memref<2x4x1x8x128xf32, #tpu.memory_space<hbm>>
      %dma_start3A_215 = tpu.memref_slice %arg9[%rem3A_149] : memref<2x!tpu.dma_semaphore, #tpu.memory_space<semaphore_mem>> -> memref<1x!tpu.dma_semaphore, #tpu.memory_space<semaphore_mem>>
      %dma_start3A_216 = tpu.memref_squeeze %dma_start3A_215 : memref<1x!tpu.dma_semaphore, #tpu.memory_space<semaphore_mem>> -> memref<!tpu.dma_semaphore, #tpu.memory_space<semaphore_mem>>
      %dma_start3A_217 = arith.constant 0 : i32
      %dma_start3A_218 = arith.constant 0 : i32
      %dma_start3A_219 = arith.constant 0 : i32
      %dma_start3A_220 = tpu.memref_slice %arg4[%mul3A_203, %dma_start3A_217, %add3A, %dma_start3A_218, %dma_start3A_219] : memref<50x4x32x8x128xf32, #tpu.memory_space<hbm>> -> memref<2x4x1x8x128xf32, #tpu.memory_space<hbm>>
      %dma_start3A_221 = arith.constant 0 : i32
      %dma_start3A_222 = arith.constant 0 : i32
      %dma_start3A_223 = arith.constant 0 : i32
      %dma_start3A_224 = arith.constant 0 : i32
      %dma_start3A_225 = arith.constant 0 : i32
      %dma_start3A_226 = tpu.memref_slice %arg7[%rem3A_149, %dma_start3A_221, %dma_start3A_222, %dma_start3A_223, %dma_start3A_224, %dma_start3A_225] : memref<2x2x4x1x8x128xf32, #tpu.memory_space<vmem>> -> memref<1x2x4x1x8x128xf32, #tpu.memory_space<vmem>>
      %dma_start3A_227 = tpu.memref_squeeze %dma_start3A_226 : memref<1x2x4x1x8x128xf32, #tpu.memory_space<vmem>> -> memref<2x4x1x8x128xf32, #tpu.memory_space<vmem>>
      tpu.enqueue_dma source(%dma_start3A_227 : memref<2x4x1x8x128xf32, #tpu.memory_space<vmem>>) target(%dma_start3A_220 : memref<2x4x1x8x128xf32, #tpu.memory_space<hbm>>) target_semaphore(%dma_start3A_216 : memref<!tpu.dma_semaphore, #tpu.memory_space<semaphore_mem>>)
    }
    %scan3A_89 = arith.constant 25 : i32
    %rem3A_90 = arith.constant 23 : i32
    %rem3A_91 = arith.constant 2 : i32
    %rem3A_92 = arith.remsi %rem3A_90, %rem3A_91 : i32
    %dma_wait3A = arith.constant 0 : i32
    %dma_wait3A_93 = arith.constant 0 : i32
    %dma_wait3A_94 = arith.constant 0 : i32
    %dma_wait3A_95 = arith.constant 0 : i32
    %dma_wait3A_96 = arith.constant 0 : i32
    %dma_wait3A_97 = tpu.memref_slice %arg7[%rem3A_92, %dma_wait3A, %dma_wait3A_93, %dma_wait3A_94, %dma_wait3A_95, %dma_wait3A_96] : memref<2x2x4x1x8x128xf32, #tpu.memory_space<vmem>> -> memref<1x2x4x1x8x128xf32, #tpu.memory_space<vmem>>
    %dma_wait3A_98 = tpu.memref_squeeze %dma_wait3A_97 : memref<1x2x4x1x8x128xf32, #tpu.memory_space<vmem>> -> memref<2x4x1x8x128xf32, #tpu.memory_space<vmem>>
    %dma_wait3A_99 = arith.constant 46 : i32
    %dma_wait3A_100 = arith.constant 0 : i32
    %dma_wait3A_101 = arith.constant 0 : i32
    %dma_wait3A_102 = arith.constant 0 : i32
    %dma_wait3A_103 = tpu.memref_slice %arg4[%dma_wait3A_99, %dma_wait3A_100, %add3A, %dma_wait3A_101, %dma_wait3A_102] : memref<50x4x32x8x128xf32, #tpu.memory_space<hbm>> -> memref<2x4x1x8x128xf32, #tpu.memory_space<hbm>>
    %dma_wait3A_104 = tpu.memref_slice %arg9[%rem3A_92] : memref<2x!tpu.dma_semaphore, #tpu.memory_space<semaphore_mem>> -> memref<1x!tpu.dma_semaphore, #tpu.memory_space<semaphore_mem>>
    %dma_wait3A_105 = tpu.memref_squeeze %dma_wait3A_104 : memref<1x!tpu.dma_semaphore, #tpu.memory_space<semaphore_mem>> -> memref<!tpu.dma_semaphore, #tpu.memory_space<semaphore_mem>>
    %dma_wait3A_106 = arith.constant 46 : i32
    %dma_wait3A_107 = arith.constant 0 : i32
    %dma_wait3A_108 = arith.constant 0 : i32
    %dma_wait3A_109 = arith.constant 0 : i32
    %dma_wait3A_110 = tpu.memref_slice %arg4[%dma_wait3A_106, %dma_wait3A_107, %add3A, %dma_wait3A_108, %dma_wait3A_109] : memref<50x4x32x8x128xf32, #tpu.memory_space<hbm>> -> memref<2x4x1x8x128xf32, #tpu.memory_space<hbm>>
    %dma_wait3A_111 = arith.constant 0 : i32
    %dma_wait3A_112 = arith.constant 0 : i32
    %dma_wait3A_113 = arith.constant 0 : i32
    %dma_wait3A_114 = arith.constant 0 : i32
    %dma_wait3A_115 = arith.constant 0 : i32
    %dma_wait3A_116 = tpu.memref_slice %arg7[%rem3A_92, %dma_wait3A_111, %dma_wait3A_112, %dma_wait3A_113, %dma_wait3A_114, %dma_wait3A_115] : memref<2x2x4x1x8x128xf32, #tpu.memory_space<vmem>> -> memref<1x2x4x1x8x128xf32, #tpu.memory_space<vmem>>
    %dma_wait3A_117 = tpu.memref_squeeze %dma_wait3A_116 : memref<1x2x4x1x8x128xf32, #tpu.memory_space<vmem>> -> memref<2x4x1x8x128xf32, #tpu.memory_space<vmem>>
    tpu.wait_dma2 semaphore(%dma_wait3A_105 : memref<!tpu.dma_semaphore, #tpu.memory_space<semaphore_mem>>) src(%dma_wait3A_117 : memref<2x4x1x8x128xf32, #tpu.memory_space<vmem>>) dst(%dma_wait3A_110 : memref<2x4x1x8x128xf32, #tpu.memory_space<hbm>>)
    %rem3A_118 = arith.constant 24 : i32
    %rem3A_119 = arith.constant 2 : i32
    %rem3A_120 = arith.remsi %rem3A_118, %rem3A_119 : i32
    %dma_wait3A_121 = arith.constant 0 : i32
    %dma_wait3A_122 = arith.constant 0 : i32
    %dma_wait3A_123 = arith.constant 0 : i32
    %dma_wait3A_124 = arith.constant 0 : i32
    %dma_wait3A_125 = arith.constant 0 : i32
    %dma_wait3A_126 = tpu.memref_slice %arg7[%rem3A_120, %dma_wait3A_121, %dma_wait3A_122, %dma_wait3A_123, %dma_wait3A_124, %dma_wait3A_125] : memref<2x2x4x1x8x128xf32, #tpu.memory_space<vmem>> -> memref<1x2x4x1x8x128xf32, #tpu.memory_space<vmem>>
    %dma_wait3A_127 = tpu.memref_squeeze %dma_wait3A_126 : memref<1x2x4x1x8x128xf32, #tpu.memory_space<vmem>> -> memref<2x4x1x8x128xf32, #tpu.memory_space<vmem>>
    %dma_wait3A_128 = arith.constant 48 : i32
    %dma_wait3A_129 = arith.constant 0 : i32
    %dma_wait3A_130 = arith.constant 0 : i32
    %dma_wait3A_131 = arith.constant 0 : i32
    %dma_wait3A_132 = tpu.memref_slice %arg4[%dma_wait3A_128, %dma_wait3A_129, %add3A, %dma_wait3A_130, %dma_wait3A_131] : memref<50x4x32x8x128xf32, #tpu.memory_space<hbm>> -> memref<2x4x1x8x128xf32, #tpu.memory_space<hbm>>
    %dma_wait3A_133 = tpu.memref_slice %arg9[%rem3A_120] : memref<2x!tpu.dma_semaphore, #tpu.memory_space<semaphore_mem>> -> memref<1x!tpu.dma_semaphore, #tpu.memory_space<semaphore_mem>>
    %dma_wait3A_134 = tpu.memref_squeeze %dma_wait3A_133 : memref<1x!tpu.dma_semaphore, #tpu.memory_space<semaphore_mem>> -> memref<!tpu.dma_semaphore, #tpu.memory_space<semaphore_mem>>
    %dma_wait3A_135 = arith.constant 48 : i32
    %dma_wait3A_136 = arith.constant 0 : i32
    %dma_wait3A_137 = arith.constant 0 : i32
    %dma_wait3A_138 = arith.constant 0 : i32
    %dma_wait3A_139 = tpu.memref_slice %arg4[%dma_wait3A_135, %dma_wait3A_136, %add3A, %dma_wait3A_137, %dma_wait3A_138] : memref<50x4x32x8x128xf32, #tpu.memory_space<hbm>> -> memref<2x4x1x8x128xf32, #tpu.memory_space<hbm>>
    %dma_wait3A_140 = arith.constant 0 : i32
    %dma_wait3A_141 = arith.constant 0 : i32
    %dma_wait3A_142 = arith.constant 0 : i32
    %dma_wait3A_143 = arith.constant 0 : i32
    %dma_wait3A_144 = arith.constant 0 : i32
    %dma_wait3A_145 = tpu.memref_slice %arg7[%rem3A_120, %dma_wait3A_140, %dma_wait3A_141, %dma_wait3A_142, %dma_wait3A_143, %dma_wait3A_144] : memref<2x2x4x1x8x128xf32, #tpu.memory_space<vmem>> -> memref<1x2x4x1x8x128xf32, #tpu.memory_space<vmem>>
    %dma_wait3A_146 = tpu.memref_squeeze %dma_wait3A_145 : memref<1x2x4x1x8x128xf32, #tpu.memory_space<vmem>> -> memref<2x4x1x8x128xf32, #tpu.memory_space<vmem>>
    tpu.wait_dma2 semaphore(%dma_wait3A_134 : memref<!tpu.dma_semaphore, #tpu.memory_space<semaphore_mem>>) src(%dma_wait3A_146 : memref<2x4x1x8x128xf32, #tpu.memory_space<vmem>>) dst(%dma_wait3A_139 : memref<2x4x1x8x128xf32, #tpu.memory_space<hbm>>)
    return
  }
}

module attributes {stable_mosaic.version = 14 : i64} {
  func.func @_compress_body(%arg0: i32, %arg1: memref<4000x128xf32, #tpu.memory_space<vmem>>, %arg2: memref<32x128xf32, #tpu.memory_space<vmem>>, %arg3: memref<1x32xf32, #tpu.memory_space<vmem>>, %arg4: memref<4000x128xf32, #tpu.memory_space<vmem>>) attributes {dimension_semantics = [#tpu.dimension_semantics<arbitrary>], iteration_bounds = array<i64: 25>, scalar_prefetch = 0 : i64, scratch_operands = 0 : i64, tpu.core_type = #tpu.core_type<tc>, window_params = [{transform_indices = @transform_0, window_bounds = array<i64: 4000, 128>}, {pipeline_mode = #tpu.pipeline_mode<synchronous>, transform_indices = @transform_1, window_bounds = array<i64: 32, 128>}, {pipeline_mode = #tpu.pipeline_mode<synchronous>, transform_indices = @transform_2, window_bounds = array<i64: 1, 32>}, {transform_indices = @transform_3, window_bounds = array<i64: 4000, 128>}]} {
    %get3A = arith.constant 0 : index
    %get3A_0 = arith.constant 0 : index
    %get3A_1 = vector.load %arg1[%get3A, %get3A_0] : memref<4000x128xf32, #tpu.memory_space<vmem>>, vector<4000x128xf32>
    %get3A_2 = arith.constant 0 : index
    %get3A_3 = arith.constant 0 : index
    %get3A_4 = vector.load %arg2[%get3A_2, %get3A_3] : memref<32x128xf32, #tpu.memory_space<vmem>>, vector<32x128xf32>
    %dot_general3A = arith.constant dense<0.000000e+00> : vector<4000x32xf32>
    %dot_general3A_5 = tpu.matmul %get3A_1, %get3A_4, %dot_general3A {dimension_numbers = #tpu.dot_dimension_numbers<[1], [1], [0], [0], [0, 0, 1, 0], [], []>, transpose_lhs_hint = false} : vector<4000x128xf32>, vector<32x128xf32>, vector<4000x32xf32> -> vector<4000x32xf32>
    %get3A_6 = arith.constant 0 : index
    %get3A_7 = arith.constant 0 : index
    %get3A_8 = vector.load %arg3[%get3A_6, %get3A_7] : memref<1x32xf32, #tpu.memory_space<vmem>>, vector<1x32xf32>
    %add3A = vector.broadcast %get3A_8 : vector<1x32xf32> to vector<4000x32xf32>
    %add3A_9 = arith.addf %dot_general3A_5, %add3A : vector<4000x32xf32>
    %jit3A = arith.constant -1.000000e+00 : f32
    %jit3A_10 = arith.constant 1.000000e+00 : f32
    %max3A = vector.broadcast %jit3A : f32 to vector<4000x32xf32>
    %max3A_11 = arith.maximumf %max3A, %add3A_9 : vector<4000x32xf32>
    %min3A = vector.broadcast %jit3A_10 : f32 to vector<4000x32xf32>
    %min3A_12 = arith.minimumf %min3A, %max3A_11 : vector<4000x32xf32>
    %swap3A = arith.constant 0 : index
    %swap3A_13 = arith.constant 0 : index
    %swap3A_14 = vector.load %arg4[%swap3A, %swap3A_13] : memref<4000x128xf32, #tpu.memory_space<vmem>>, vector<4000x32xf32>
    tpu.vector_store %arg4[%swap3A, %swap3A_13], %min3A_12 {strides = array<i32>} : memref<4000x128xf32, #tpu.memory_space<vmem>>, vector<4000x32xf32>,
    return
  }
  func.func @transform_0(%arg0: i32) -> (i32, i32) {
    %c0_i32 = arith.constant 0 : i32
    %c0_i32_0 = arith.constant 0 : i32
    return %arg0, %c0_i32 : i32, i32
  }
  func.func @transform_1(%arg0: i32) -> (i32, i32) {
    %c0_i32 = arith.constant 0 : i32
    %c0_i32_0 = arith.constant 0 : i32
    %c0_i32_1 = arith.constant 0 : i32
    return %c0_i32, %c0_i32_0 : i32, i32
  }
  func.func @transform_2(%arg0: i32) -> (i32, i32) {
    %c0_i32 = arith.constant 0 : i32
    %c0_i32_0 = arith.constant 0 : i32
    %c0_i32_1 = arith.constant 0 : i32
    return %c0_i32, %c0_i32_0 : i32, i32
  }
  func.func @transform_3(%arg0: i32) -> (i32, i32) {
    %c0_i32 = arith.constant 0 : i32
    %c0_i32_0 = arith.constant 0 : i32
    return %arg0, %c0_i32 : i32, i32
  }
}

</mosaic_0001>

<sc_bundles>
// kernel: kernel.4.cloned.1.call-start
scs
__scs_entry_jumppad:
0x0: {  	(pc) =	sbr.rel $0x88, $3  }
0x1: {  	(tag) =	ssettag $0x0;
	lr =	simm.s32 $0x1  }
0x2: {  	[smem:$0x3F9D] =	sst lr;
	_ =	strace $0xD0000000  }
0x3: {  	_ = 	snop  }
0x4: {  	_ = 	snop  }
0x5: {  	_ = 	snop  }
0x6: {  	_ = 	snop  }
0x7: {  	_ = 	snop  }
__scs_overlays_trampoline_lowered:
0x8: {  	[smem:$0x3FAC] =	sst s0  }
0x9: {  	[smem:$0x3FAD] =	sst s1  }
0xa: {  	[smem:$0x3FAE] =	sst s2  }
0xb: {  	[smem:$0x3FAF] =	sst s3  }
0xc: {  	[smem:$0x3FB0] =	sst s4  }
0xd: {  	[smem:$0x3FB1] =	sst s5  }
0xe: {  	[smem:$0x3FB2] =	sst s6  }
0xf: {  	[smem:$0x3FB3] =	sst s7  }
0x10: {  	[smem:$0x3FB4] =	sst s8  }
0x11: {  	[smem:$0x3FB5] =	sst s9;
	s0 =	simm.s32 @!p0 $0x0  }
0x12: {  	s1 =	sld [smem:$0x3F9B];
	s0 =	simm.s32 @p0 $0x1  }
0x13: {  	[smem:$0x3FB6] =	sst s0;
	s0 =	simm.s32 @!p1 $0x0  }
0x14: {  	s2 =	sld [smem:$0x3F9A];
	s0 =	simm.s32 @p1 $0x1  }
0x15: {  	[smem:$0x3FB7] =	sst s0;
	s0 =	simm.s32 @!p2 $0x0  }
0x16: {  	s3 =	sld [smem:$0x3FDB];
	s0 =	simm.s32 @p2 $0x1  }
0x17: {  	s4 =	simm.s32 $0x1BF5;
	[smem:$0x3FB9] =	sst s0  }
0x18: {  	s0 =	sld [smem:$0x3F9C];
	_ =	swait.ge [sflag:s4], $0x0  }
0x19: {  	s7 =	sld [smem:$0x3F9D]  }
0x1a: {  	s8 =	sadd.s32 $0xFFFFE003, lr  }
0x1b: {  	s9 =	sadd.s32 $0xFFFFFEF7, lr;
	s5 =	simm.s32 $0xFFFFFFFF;
	p2 =	slt.u32 s8, $0xFFFFF086  }
0x1c: {  	p1 =	slt.u32 s9, $0xF7A;
	s5 =	simm.s32 @!p2 $0x0  }
0x1d: {  	s5 =	simm.s32 @p1 $0x1;
	p0 =	seq.s32 s7, s2  }
0x1e: {  	s7 =	smul.u32 @!p0 $0xF7A, s2;
	p2 =	seq.s32 @!p0 s5, $0x0  }
0x1f: {  	s9 =	smul.u32 $0xF7A, s1;
	s8 =	simm.s32 @!p0 $0x1BF5;
	p2 =	por !p2, p0  }
0x20: {  	[sflag:s8] =	ssyncset.s32 @!p0 $0xFFFFF086;
	s6 =	sadd.s32 @!p0 s3, s7;
	s7 =	simm.s32 @!p0 $0x108  }
0x21: {  	s3 =	sadd.s32 s3, s9;
	s6 =	sadd.s32 @!p0 $0x88, s6;
	s7 =	simm.s32 @p2 $0x1082  }
0x22: {  	[simem:s7], [sflag:s8] =	dma.local @!p0 [hbm:s6], $0xF7A  }
0x23: {  	s9 =	sor.u32 $0xD0000000, s2;
	s6 =	simm.s32 $0x108;
	_ =	swait.ge @!p0 [sflag:s8], $0x0  }
0x24: {  	s3 =	sadd.s32 $0x88, s3;
	s6 =	simm.s32 @!p1 $0x1082;
	[sflag:s4] =	ssyncset.s32 $0xFFFFF086  }
0x25: {  	[simem:s6], [sflag:s4] =	dma.local [hbm:s3], $0xF7A  }
0x26: {  	[smem:$0x3F9D] =	sst s1;
	(tag) =	ssettag s2;
	_ =	strace s9  }
0x27: {  	s1 =	sld [smem:$0x3FAD]  }
0x28: {  	s2 =	sld [smem:$0x3FAE]  }
0x29: {  	s4 =	sld [smem:$0x3FB0]  }
0x2a: {  	p0 =	seq.s32 s5, $0x0;
	s5 =	sld [smem:$0x3FB1]  }
0x2b: {  	s6 =	sld [smem:$0x3FB2]  }
0x2c: {  	s7 =	sld [smem:$0x3FB3]  }
0x2d: {  	s3 =	simm.s32 $0x108;
	s8 =	sld [smem:$0x3FB4]  }
0x2e: {  	s3 =	simm.s32 @!p0 $0x1082;
	s9 =	sld [smem:$0x3FB5]  }
0x2f: {  	lr =	sadd.s32 s0, s3;
	s0 =	sld [smem:$0x3FAC]  }
0x30: {  	s3 =	sld [smem:$0x3FAF]  }
0x31: {  	[smem:$0x3FB8] =	sst s10  }
0x32: {  	s10 =	sld [smem:$0x3FB6];
	_ =	sdelay $0x3  }
0x33: {  	p0 =	seq.s32 s10, $0x1;
	s10 =	sld [smem:$0x3FB8];
	_ =	sdelay $0x3  }
0x34: {  	[smem:$0x3FB8] =	sst s10  }
0x35: {  	s10 =	sld [smem:$0x3FB7];
	_ =	sdelay $0x3  }
0x36: {  	p1 =	seq.s32 s10, $0x1;
	s10 =	sld [smem:$0x3FB8];
	_ =	sdelay $0x3  }
0x37: {  	[smem:$0x3FB8] =	sst s10  }
0x38: {  	s10 =	sld [smem:$0x3FB9]  }
0x39: {  	_ = 	snop;
	(pc) =	sbr.ind lr, $3  }
0x3a: {  	_ = 	snop  }
0x3b: {  	_ = 	snop  }
0x3c: {  	p2 =	seq.s32 s10, $0x1;
	s10 =	sld [smem:$0x3FB8]  }
0x3d: {  	_ =	shalt  }
0x3e: {  	_ =	shalt  }
0x3f: {  	_ =	shalt  }
0x40: {  	_ =	shalt  }
0x41: {  	_ =	shalt  }
0x42: {  	_ =	shalt  }
0x43: {  	_ =	shalt  }
0x44: {  	_ =	shalt  }
0x45: {  	_ =	shalt  }
0x46: {  	_ =	shalt  }
0x47: {  	_ =	shalt  }
0x48: {  	_ =	shalt  }
0x49: {  	_ =	shalt  }
0x4a: {  	_ =	shalt  }
0x4b: {  	_ =	shalt  }
0x4c: {  	_ =	shalt  }
0x4d: {  	_ =	shalt  }
0x4e: {  	_ =	shalt  }
0x4f: {  	_ =	shalt  }
0x50: {  	_ =	shalt  }
0x51: {  	_ =	shalt  }
0x52: {  	_ =	shalt  }
0x53: {  	_ =	shalt  }
0x54: {  	_ =	shalt  }
0x55: {  	_ =	shalt  }
0x56: {  	_ =	shalt  }
0x57: {  	_ =	shalt  }
0x58: {  	_ =	shalt  }
0x59: {  	_ =	shalt  }
0x5a: {  	_ =	shalt  }
0x5b: {  	_ =	shalt  }
0x5c: {  	_ =	shalt  }
0x5d: {  	_ =	shalt  }
0x5e: {  	_ =	shalt  }
0x5f: {  	_ =	shalt  }
0x60: {  	_ =	shalt  }
0x61: {  	_ =	shalt  }
0x62: {  	_ =	shalt  }
0x63: {  	_ =	shalt  }
0x64: {  	_ =	shalt  }
0x65: {  	_ =	shalt  }
0x66: {  	_ =	shalt  }
0x67: {  	_ =	shalt  }
0x68: {  	_ =	shalt  }
0x69: {  	_ =	shalt  }
0x6a: {  	_ =	shalt  }
0x6b: {  	_ =	shalt  }
0x6c: {  	_ =	shalt  }
0x6d: {  	_ =	shalt  }
0x6e: {  	_ =	shalt  }
0x6f: {  	_ =	shalt  }
0x70: {  	_ =	shalt  }
0x71: {  	_ =	shalt  }
0x72: {  	_ =	shalt  }
0x73: {  	_ =	shalt  }
0x74: {  	_ =	shalt  }
0x75: {  	_ =	shalt  }
0x76: {  	_ =	shalt  }
0x77: {  	_ =	shalt  }
0x78: {  	_ =	shalt  }
0x79: {  	_ =	shalt  }
0x7a: {  	_ =	shalt  }
0x7b: {  	_ =	shalt  }
0x7c: {  	_ =	shalt  }
0x7d: {  	_ =	shalt  }
0x7e: {  	_ =	shalt  }
0x7f: {  	_ =	shalt  }
0x80: {  	_ =	shalt  }
0x81: {  	_ =	shalt  }
0x82: {  	_ =	shalt  }
0x83: {  	_ =	shalt  }
0x84: {  	_ =	shalt  }
0x85: {  	_ =	shalt  }
0x86: {  	_ =	shalt  }
0x87: {  	_ =	shalt  }
.Lfunc_end0:
.L_simem_size_0:
called_computation_lowered:
.L_overlay_start_0:
0x88: {  	s2 =	sld [smem:$0x3FD9]  }
0x89: {  	s3 =	sld [smem:$0x3FFE];
	_ =	sdelay $0x1  }
0x8a: {  	s1 =	srdreg.scid  }
0x8b: {  	s0 =	sand.u32 $0x1, s1  }
0x8c: {  	s17 =	sshll.u32 s0, $0xA;
	s2 =	sadd.s32 s3, s2  }
0x8d: {  	s2 =	sadd.s32 s2, s17  }
0x8e: {  	[smem:$0x3FC4] =	sst s2  }
0x8f: {  	_ = 	snop  }
0x90: {  	s2 =	sld [smem:$0x3FD0];
	(tm) =	ssettm $0x1  }
0x91: {  	s18 =	sld [smem:$0x3FFB];
	_ =	sdelay $0x3  }
0x92: {  	_ =	strace s18  }
0x93: {  	s3 =	sld [smem:$0x3FFC];
	_ =	sdelay $0x3  }
0x94: {  	_ =	strace s3  }
0x95: {  	s3 =	sld [smem:$0x3FFD];
	_ =	sdelay $0x3  }
0x96: {  	_ =	strace s3  }
0x97: {  	_ =	strace $0x8FFFFFFF  }
0x98: {  	s19 =	sld [smem:$0x3FDB];
	_ =	sdelay $0x1  }
0x99: {  	s4 =	simm.s32 $_scs_section_size  }
0x9a: {  	s5 =	simm.s32 $_size__tile_overlayer_lowered;
	s6 =	simm.s32 $_tile_overlayer_lowered  }
0x9b: {  	s22 =	simm.s32 $0x1BFF;
	s21 =	sshll.u32 s6, $0x1;
	s3 =	sadd.s32 s4, s19  }
0x9c: {  	s7 =	simm.s32 $0x0;
	s20 =	sshll.u32 s5, $0x1;
	s5 =	sadd.s32 s21, s3  }
0x9d: {  	[timem:s7], [sflag:s22] =	dma.local [hbm:s5], s20  }
0x9e: {  	_ =	swait.ge [sflag:s22], s20  }
0x9f: {  	s4 =	ssub.s32 $0x0, s20;
	[sflag:s22] =	ssyncset.done $0x0  }
0xa0: {  	[sflag:s22] =	ssyncadd.s32 s4;
	_ =	sdelay $0x1  }
0xa1: {  	s23 =	simm.s32 $0x1B8B  }
0xa2: {  	_ =	swait.ge [sflag:s23], $0x1  }
0xa3: {  	[sflag:s23] =	ssyncset.done $0x0  }
0xa4: {  	s25 =	simm.s32 $0x1B8E;
	s24 =	sld [smem:$0x3FFE];
	[sflag:s23] =	ssyncadd.s32 $0xFFFFFFFF  }
0xa5: {  	s26 =	simm.s32 $execute0_lowered;
	[smem:$0x3FD2] =	sst s25  }
0xa6: {  	s5 =	sshll.u32 s26, $0x1;
	_ =	strace $0x80000046;
	[dreg:$0x1] =	wrdreg $0xFFFFFFFF  }
0xa7: {  	s28 =	simm.s32 $_size_execute0_lowered;
	s3 =	sadd.s32 s3, s5;
	[dreg:$0x0] =	wrdreg $0x0  }
0xa8: {  	s5 =	sshll.u32 s28, $0x1;
	[dreg:$0x2] =	wrdreg s3  }
0xa9: {  	[dreg:$0x3] =	wrdreg s5  }
0xaa: {  	[dreg:$0x4] =	wrdreg $0xC0  }
0xab: {  	_ =	task [dreg:s7], $0x5FFFF  }
0xac: {  	[dreg:$0x1] =	wrdreg $0xFFFFFFFF  }
0xad: {  	[dreg:$0x0] =	wrdreg $0x60  }
0xae: {  	[dreg:$0x2] =	wrdreg s24  }
0xaf: {  	[dreg:$0x3] =	wrdreg s2  }
0xb0: {  	[dreg:$0x4] =	wrdreg $0x9  }
0xb1: {  	_ =	task.clear_ibuf [dreg:s7], $0x5FFFF;
	_ =	strace $0x90000046  }
0xb2: {  	s29 =	simm.s32 $0x9;
	_ =	strace $0x80000048  }
0xb3: {  	_ =	swait.ge [sflag:s29], $0x1  }
0xb4: {  	[sflag:s29] =	ssyncadd.s32 $0xFFFFFFFF  }
0xb5: {  	_ =	strace $0x90000048  }
0xb6: {  	_ =	sfence  }
0xb7: {  	s30 =	sld [smem:$0x0];
	_ =	sdelay $0x2  }
0xb8: {  	s31 =	sshll.u32 s1, $0xD;
	s1 =	sshrl.u32 s1, $0x2  }
0xb9: {  	s3 =	sand.u32 $0x4000, s31;
	s1 =	sadd.s32 s1, s30  }
0xba: {  	s0 =	sor.u32 s3, s0;
	s1 =	sshll.u32 s1, $0x11  }
0xbb: {  	s0 =	sor.u32 s1, s0  }
0xbc: {  	s0 =	sadd.s32 $0x8F2B, s0  }
0xbd: {  	[sflag:s0] =	ssyncadd.remote.s32 $0x1  }
0xbe: {  	_ =	sfence.sel $0xFFFF  }
0xbf: {  	[dreg:$0x0] =	wrdreg $0xFFFFFFFF;
	(pc) =	sbr.abs _section_cstart, $3  }
0xc0: {  	[dreg:$0x1] =	wrdreg $0xFFFFFFFF  }
0xc1: {  	_ =	task.clear_ibuf [dreg:s7], $0x2FFFF;
	_ =	strace $0x9FFFFFFF  }
0xc2: {  	(tm) =	ssettm $0x7FFFFFFF  }
0xc3: {  	_ =	shalt  }
tec
execute0_lowered:
.L_overlay_start_1:
0x0: {  	(tag) =	ssettag $0x1  }
0x1: {  	s1 =	srdreg.scid;
	s3 =	stileid.u32;
	v0 =	vlaneseq.u32  }
0x2: {  	s0 =	rddreg [dreg:$0x0];
	s1 =	sand.u32 $0x1, s1;
	s3 =	sshll.u32 s3, $0x1;
	v0 =	vmul.u32 $0x20, v0  }
0x3: {  	s5 =	simm.s32 $0x0;
	s4 =	sor.u32 s1, s3;
	s1 =	ssub.s32 $0x2, s1  }
0x4: {  	[smem:$0x7FF] =	sst s5;
	s30 =	smul.u32 $0x320, s4;
	s6 =	sshrl.u32 s1, $0x1;
	v1 =	vor.u32 $0x200, v0;
	v2 =	vor.u32 $0x400, v0;
	v3 =	vor.u32 $0x600, v0  }
0x5: {  	s2 =	rddreg [dreg:$0x1];
	_ =	strace $0x80000047;
	v4 =	vor.u32 $0x800, v0;
	v5 =	vor.u32 $0xA00, v0;
	v6 =	vor.u32 $0xC00, v0;
	s1 =	ssub.s32 s1, s6  }
0x6: {  	s3 =	sadd.s32 $0x6C00, s0;
	v7 =	vor.u32 $0xE00, v0;
	v8 =	vor.u32 $0x1000, v0;
	v9 =	vor.u32 $0x1200, v0;
	s0 =	sadd.s32 s30, s0;
	s31 =	smax.u32 s1, $0x1  }
0x7: {  	s4 =	sshll.u32 s4, $0x7;
	v10 =	vor.u32 $0x1400, v0;
	v11 =	vor.u32 $0x1600, v0;
	v12 =	vor.u32 $0x1800, v0;
	s0 =	sadd.s32 $0x800, s0;
	[dreg:$0x4] =	wrdreg s31  }
0x8: {  	v13 =	vor.u32 $0x1A00, v0;
	v14 =	vor.u32 $0x1C00, v0;
	v15 =	vor.u32 $0x1E00, v0;
	s5 =	sadd.s32 s2, s4;
	s2 =	simm.s32 $0x0;
	[dreg:$0x3] =	wrdreg s0  }
.LBB2_1:
0x9: {  	[dreg:$0x5] =	wrdreg s2  }
0xa: {  	s0 =	simm.s32 $0x0;
	s1 =	rddreg [dreg:$0x3];
	s28 =	simm.s32 $0x5  }
0xb: {  	[tilespmem:s0], [sflag:$0x5] =	stream.linear.gather [hbm4b:s1+s0], $0x1900, $0x38;
	[tilespmem:$0x9900] =	vst v63  }
0xc: {  	_ =	swait.ge [sflag:s28], $0x1900  }
0xd: {  	[sflag:s28] =	ssyncset.done $0x0  }
0xe: {  	s29 =	simm.s32 $0x80;
	s30 =	simm.s32 $0x1900;
	[sflag:s28] =	ssyncadd.s32 $0xFFFFE700  }
0xf: {  	[tilespmem:s30], [sflag:$0x1] =	stream.indirect.gather [hbm4b:s3+s29], $0x20, s0, s29, $0xb8;
	[tilespmem:$0x9900] =	vst v63  }
0x10: {  	s31 =	simm.s32 $0x2900;
	s17 =	simm.s32 $0x0  }
0x11: {  	[tilespmem:s31], [sflag:$0x1] =	stream.indirect.gather [hbm4b:s3+s29], $0x20, s29, s29, $0xb8;
	[tilespmem:$0x9900] =	vst v63  }
.LBB2_2:
0x12: {  	s16 =	sadd.s32 $0x1, s17;
	p0 =	seq.s32 s17, $0x18  }
0x13: {  	s18 =	sand.u32 $0x1, s17;
	s0 =	sand.u32 @!p0 $0x1, s16  }
0x14: {  	s4 =	sshll.u32 @!p0 s16, $0x8;
	s6 =	simm.s32 @!p0 $0x80;
	s1 =	sshll.u32 @!p0 s0, $0xD  }
0x15: {  	s4 =	sand.u32 @!p0 $0x3FFFFF00, s4;
	s0 =	sadd.s32 @!p0 $0x1, s0;
	s2 =	sor.u32 @!p0 $0x1900, s1  }
0x16: {  	[tilespmem:s2], [sflag:s0] =	stream.indirect.gather @!p0 [hbm4b:s3+s6], $0x20, s4, s6, $0xb8;
	[tilespmem:$0x9900] =	vst v63  }
0x17: {  	s12 =	sadd.s32 $0x1, s18;
	s1 =	sadd.s32 @!p0 $0x2900, s1;
	s2 =	sor.u32 @!p0 $0x80, s4  }
0x18: {  	[tilespmem:s1], [sflag:s0] =	stream.indirect.gather @!p0 [hbm4b:s3+s6], $0x20, s2, s6, $0xb8;
	[tilespmem:$0x9900] =	vst v63  }
0x19: {  	s13 =	simm.s32 $0x0;
	_ =	swait.ge [sflag:s12], $0x1000  }
0x1a: {  	v16 =	vmov s13;
	s14 =	sand.u32 $0x4, s13;
	[sflag:s12] =	ssyncset.done $0x0  }
0x1b: {  	v16 =	vand.u32 $0x1C, v16;
	s15 =	sor.u32 $0x1, s14;
	s1 =	sand.u32 $0x18, s13;
	[sflag:s12] =	ssyncadd.s32 $0xFFFFF000  }
0x1c: {  	v17 =	vbroadcast v16, $0x0;
	s7 =	sor.u32 s1, s15;
	_ =	swait.ge [sflag:s12], $0x1000  }
0x1d: {  	s8 =	sor.u32 $0x2, s14;
	p0 =	slt.u32 s17, $0x2;
	v16 =	vor.u32 s7, v0;
	[sflag:s12] =	ssyncset.done $0x0  }
0x1e: {  	v18 =	vor.u32 v0, v17;
	s0 =	sadd.s32 @!p0 $0x3, s18;
	s13 =	sor.u32 s1, s8;
	[sflag:s12] =	ssyncadd.s32 $0xFFFFF000  }
0x1f: {  	v19 =	vor.u32 s13, v0;
	_ =	swait.ge @!p0 [sflag:s0], $0x2000  }
0x20: {  	s21 =	sshll.u32 s18, $0xD;
	s11 =	sor.u32 $0x3, s14;
	[sflag:s0] =	ssyncset.done @!p0 $0x0  }
0x21: {  	s20 =	sor.u32 $0x1900, s21;
	s14 =	sor.u32 s1, s11;
	[sflag:s0] =	ssyncadd.s32 @!p0 $0xFFFFE000  }
0x22: {  	v20 =	vor.u32 s14, v0;
	v16 =	vld.idx.msk [tilespmem:v16+s20+$0x0], $0xffff  }
0x23: {  	s22 =	simm.s32 $0x0;
	v21 =	vor.u32 s7, v1;
	v18 =	vld.idx.msk [tilespmem:v18+s20+$0x0], $0xffff  }
0x24: {  	s23 =	sand.u32 $0xC00, s22;
	s19 =	sor.u32 $0x5900, s21;
	v22 =	vor.u32 v1, v17;
	v19 =	vld.idx.msk [tilespmem:v19+s20+$0x0], $0xffff  }
0x25: {  	s6 =	sadd.s32 s23, s19;
	s1 =	sshll.u32 s15, $0x7;
	v23 =	vor.u32 s13, v1  }
0x26: {  	s2 =	sand.u32 $0x200, s22;
	s10 =	sadd.s32 s1, s6  }
0x27: {  	s9 =	sadd.s32 s2, s6;
	s0 =	sshll.u32 s8, $0x7;
	[tilespmem:s10+$0x0] =	vst v16;
	v16 =	vld.idx.msk [tilespmem:v20+s20+$0x0], $0xffff  }
0x28: {  	s22 =	sadd.s32 s0, s6;
	[tilespmem:s9+$0x0] =	vst v18;
	v20 =	vor.u32 s14, v1;
	v18 =	vld.idx.msk [tilespmem:v21+s20+$0x0], $0xffff  }
0x29: {  	[tilespmem:s22+$0x0] =	vst v19;
	v19 =	vor.u32 s7, v2;
	v21 =	vld.idx.msk [tilespmem:v22+s20+$0x0], $0xffff  }
0x2a: {  	s4 =	sshll.u32 s11, $0x7;
	v22 =	vor.u32 v2, v17;
	v23 =	vld.idx.msk [tilespmem:v23+s20+$0x0], $0xffff  }
0x2b: {  	s24 =	sadd.s32 s4, s6;
	v24 =	vor.u32 s13, v2  }
0x2c: {  	[tilespmem:s24+$0x0] =	vst v16  }
0x2d: {  	[tilespmem:s10+$0x10] =	vst v18;
	v16 =	vld.idx.msk [tilespmem:v20+s20+$0x0], $0xffff  }
0x2e: {  	[tilespmem:s9+$0x10] =	vst v21;
	v18 =	vor.u32 s14, v2;
	v19 =	vld.idx.msk [tilespmem:v19+s20+$0x0], $0xffff  }
0x2f: {  	[tilespmem:s22+$0x10] =	vst v23;
	v21 =	vor.u32 s7, v3;
	v20 =	vld.idx.msk [tilespmem:v22+s20+$0x0], $0xffff  }
0x30: {  	v22 =	vor.u32 v3, v17;
	v23 =	vld.idx.msk [tilespmem:v24+s20+$0x0], $0xffff  }
0x31: {  	v24 =	vor.u32 s13, v3  }
0x32: {  	[tilespmem:s24+$0x10] =	vst v16  }
0x33: {  	v16 =	vld.idx.msk [tilespmem:v18+s20+$0x0], $0xffff;
	[tilespmem:s10+$0x20] =	vst v19  }
0x34: {  	[tilespmem:s9+$0x20] =	vst v20;
	v18 =	vor.u32 s14, v3;
	v19 =	vld.idx.msk [tilespmem:v21+s20+$0x0], $0xffff  }
0x35: {  	[tilespmem:s22+$0x20] =	vst v23;
	v20 =	vld.idx.msk [tilespmem:v22+s20+$0x0], $0xffff;
	v21 =	vor.u32 s7, v4  }
0x36: {  	v22 =	vor.u32 v4, v17;
	v23 =	vld.idx.msk [tilespmem:v24+s20+$0x0], $0xffff  }
0x37: {  	v24 =	vor.u32 s13, v4  }
0x38: {  	[tilespmem:s24+$0x20] =	vst v16  }
0x39: {  	v16 =	vld.idx.msk [tilespmem:v18+s20+$0x0], $0xffff;
	[tilespmem:s10+$0x30] =	vst v19  }
0x3a: {  	[tilespmem:s9+$0x30] =	vst v20;
	v18 =	vor.u32 s14, v4;
	v19 =	vld.idx.msk [tilespmem:v21+s20+$0x0], $0xffff  }
0x3b: {  	[tilespmem:s22+$0x30] =	vst v23;
	v20 =	vld.idx.msk [tilespmem:v22+s20+$0x0], $0xffff;
	v21 =	vor.u32 s7, v5  }
0x3c: {  	v22 =	vor.u32 v5, v17;
	v23 =	vld.idx.msk [tilespmem:v24+s20+$0x0], $0xffff  }
0x3d: {  	v24 =	vor.u32 s13, v5  }
0x3e: {  	[tilespmem:s24+$0x30] =	vst v16  }
0x3f: {  	v16 =	vld.idx.msk [tilespmem:v18+s20+$0x0], $0xffff;
	[tilespmem:s10+$0x40] =	vst v19  }
0x40: {  	[tilespmem:s9+$0x40] =	vst v20;
	v18 =	vor.u32 s14, v5;
	v19 =	vld.idx.msk [tilespmem:v21+s20+$0x0], $0xffff  }
0x41: {  	[tilespmem:s22+$0x40] =	vst v23;
	v20 =	vld.idx.msk [tilespmem:v22+s20+$0x0], $0xffff;
	v21 =	vor.u32 s7, v6  }
0x42: {  	v22 =	vor.u32 v6, v17;
	v23 =	vld.idx.msk [tilespmem:v24+s20+$0x0], $0xffff  }
0x43: {  	v24 =	vor.u32 s13, v6  }
0x44: {  	[tilespmem:s24+$0x40] =	vst v16  }
0x45: {  	v16 =	vld.idx.msk [tilespmem:v18+s20+$0x0], $0xffff;
	[tilespmem:s10+$0x50] =	vst v19  }
0x46: {  	[tilespmem:s9+$0x50] =	vst v20;
	v19 =	vor.u32 s14, v6;
	v18 =	vld.idx.msk [tilespmem:v21+s20+$0x0], $0xffff  }
0x47: {  	[tilespmem:s22+$0x50] =	vst v23;
	v20 =	vld.idx.msk [tilespmem:v22+s20+$0x0], $0xffff;
	v21 =	vor.u32 s7, v7  }
0x48: {  	v23 =	vor.u32 v7, v17;
	v22 =	vld.idx.msk [tilespmem:v24+s20+$0x0], $0xffff  }
0x49: {  	v24 =	vor.u32 s13, v7  }
0x4a: {  	[tilespmem:s24+$0x50] =	vst v16  }
0x4b: {  	v19 =	vld.idx.msk [tilespmem:v19+s20+$0x0], $0xffff;
	[tilespmem:s10+$0x60] =	vst v18  }
0x4c: {  	s26 =	simm.s32 $0x4;
	[tilespmem:s9+$0x60] =	vst v20;
	v20 =	vor.u32 s14, v7;
	v18 =	vld.idx.msk [tilespmem:v21+s20+$0x0], $0xffff  }
0x4d: {  	s25 =	sand.u32 $0x4, s26;
	v16 =	vmov s26;
	[tilespmem:s22+$0x60] =	vst v22;
	v21 =	vor.u32 s7, v8;
	v23 =	vld.idx.msk [tilespmem:v23+s20+$0x0], $0xffff  }
0x4e: {  	s15 =	sor.u32 $0x1, s25;
	s12 =	sand.u32 $0x18, s26;
	v16 =	vand.u32 $0x1C, v16;
	v22 =	vld.idx.msk [tilespmem:v24+s20+$0x0], $0xffff;
	v24 =	vor.u32 v8, v17  }
0x4f: {  	v25 =	vor.u32 s13, v8;
	s21 =	sor.u32 s12, s15;
	v16 =	vbroadcast v16, $0x0  }
0x50: {  	[tilespmem:s24+$0x60] =	vst v19;
	v19 =	vor.u32 s21, v0  }
0x51: {  	v20 =	vld.idx.msk [tilespmem:v20+s20+$0x0], $0xffff;
	[tilespmem:s10+$0x70] =	vst v18;
	v18 =	vor.u32 v0, v16  }
0x52: {  	[tilespmem:s9+$0x70] =	vst v23;
	v23 =	vor.u32 s14, v8;
	v21 =	vld.idx.msk [tilespmem:v21+s20+$0x0], $0xffff  }
0x53: {  	s10 =	sor.u32 $0x2, s25;
	[tilespmem:s22+$0x70] =	vst v22;
	v22 =	vor.u32 s7, v9;
	v24 =	vld.idx.msk [tilespmem:v24+s20+$0x0], $0xffff  }
0x54: {  	v26 =	vor.u32 v9, v17;
	s23 =	sor.u32 s12, s10;
	v25 =	vld.idx.msk [tilespmem:v25+s20+$0x0], $0xffff  }
0x55: {  	s11 =	sor.u32 $0x3, s25;
	s6 =	sadd.s32 $0x1000, s6;
	v27 =	vor.u32 s23, v0;
	v19 =	vld.idx.msk [tilespmem:v19+s20+$0x0], $0xffff  }
0x56: {  	s25 =	sor.u32 s12, s11;
	s22 =	sadd.s32 s1, s6;
	[tilespmem:s24+$0x70] =	vst v20;
	v18 =	vld.idx.msk [tilespmem:v18+s20+$0x0], $0xffff;
	v20 =	vor.u32 s13, v9  }
0x57: {  	s31 =	simm.s32 $0x200;
	v28 =	vor.u32 s25, v0;
	s24 =	sadd.s32 s2, s6;
	[tilespmem:s22+$0x0] =	vst v21;
	v21 =	vld.idx.msk [tilespmem:v23+s20+$0x0], $0xffff  }
0x58: {  	s12 =	sand.u32 $0xC00, s31;
	v23 =	vor.u32 v1, v16;
	[tilespmem:s24+$0x0] =	vst v24;
	v22 =	vld.idx.msk [tilespmem:v22+s20+$0x0], $0xffff  }
0x59: {  	s28 =	sshll.u32 s15, $0x7;
	s29 =	sadd.s32 s0, s6;
	s0 =	sadd.s32 s12, s19;
	v24 =	vld.idx.msk [tilespmem:v26+s20+$0x0], $0xffff;
	v26 =	vor.u32 s21, v1  }
0x5a: {  	s1 =	sand.u32 $0x200, s31;
	s2 =	sadd.s32 s28, s0;
	[tilespmem:s29+$0x0] =	vst v25;
	v25 =	vld.idx.msk [tilespmem:v27+s20+$0x0], $0xffff;
	v27 =	vor.u32 s14, v9  }
0x5b: {  	s8 =	sadd.s32 s1, s0;
	[tilespmem:s2+$0x0] =	vst v19;
	v20 =	vld.idx.msk [tilespmem:v20+s20+$0x0], $0xffff  }
0x5c: {  	s30 =	sadd.s32 s4, s6;
	v19 =	vor.u32 s7, v10;
	[tilespmem:s8+$0x0] =	vst v18;
	v18 =	vld.idx.msk [tilespmem:v28+s20+$0x0], $0xffff  }
0x5d: {  	v28 =	vor.u32 s23, v1;
	[tilespmem:s30+$0x0] =	vst v21;
	v21 =	vld.idx.msk [tilespmem:v23+s20+$0x0], $0xffff  }
0x5e: {  	s10 =	sshll.u32 s10, $0x7;
	v23 =	vor.u32 s13, v10;
	[tilespmem:s22+$0x10] =	vst v22;
	v22 =	vld.idx.msk [tilespmem:v26+s20+$0x0], $0xffff  }
0x5f: {  	s6 =	sadd.s32 s10, s0;
	v26 =	vor.u32 s25, v1;
	[tilespmem:s24+$0x10] =	vst v24;
	v24 =	vld.idx.msk [tilespmem:v27+s20+$0x0], $0xffff  }
0x60: {  	v29 =	vor.u32 v2, v16;
	s9 =	sshll.u32 s11, $0x7;
	[tilespmem:s6+$0x0] =	vst v25  }
0x61: {  	s4 =	sadd.s32 s9, s0;
	v25 =	vor.u32 s14, v10;
	v19 =	vld.idx.msk [tilespmem:v19+s20+$0x0], $0xffff;
	[tilespmem:s29+$0x10] =	vst v20  }
0x62: {  	v20 =	vor.u32 s21, v2;
	v27 =	vld.idx.msk [tilespmem:v28+s20+$0x0], $0xffff;
	[tilespmem:s4+$0x0] =	vst v18  }
0x63: {  	v18 =	vor.u32 v10, v17;
	v23 =	vld.idx.msk [tilespmem:v23+s20+$0x0], $0xffff;
	[tilespmem:s8+$0x10] =	vst v21  }
0x64: {  	v21 =	vor.u32 s23, v2;
	v26 =	vld.idx.msk [tilespmem:v26+s20+$0x0], $0xffff;
	[tilespmem:s30+$0x10] =	vst v24  }
0x65: {  	v28 =	vld.idx.msk [tilespmem:v29+s20+$0x0], $0xffff;
	v29 =	vor.u32 s13, v11;
	[tilespmem:s2+$0x10] =	vst v22  }
0x66: {  	v22 =	vor.u32 s25, v2;
	v24 =	vld.idx.msk [tilespmem:v25+s20+$0x0], $0xffff;
	[tilespmem:s22+$0x20] =	vst v19  }
0x67: {  	v19 =	vor.u32 v3, v16;
	v20 =	vld.idx.msk [tilespmem:v20+s20+$0x0], $0xffff;
	[tilespmem:s6+$0x10] =	vst v27  }
0x68: {  	v25 =	vor.u32 s14, v11;
	v18 =	vld.idx.msk [tilespmem:v18+s20+$0x0], $0xffff;
	[tilespmem:s29+$0x20] =	vst v23  }
0x69: {  	v27 =	vor.u32 s21, v3;
	v21 =	vld.idx.msk [tilespmem:v21+s20+$0x0], $0xffff;
	[tilespmem:s4+$0x10] =	vst v26  }
0x6a: {  	v23 =	vor.u32 v11, v17;
	v26 =	vld.idx.msk [tilespmem:v29+s20+$0x0], $0xffff;
	[tilespmem:s8+$0x20] =	vst v28  }
0x6b: {  	v28 =	vor.u32 s23, v3;
	v22 =	vld.idx.msk [tilespmem:v22+s20+$0x0], $0xffff;
	[tilespmem:s30+$0x20] =	vst v24  }
0x6c: {  	v29 =	vor.u32 s13, v12;
	v19 =	vld.idx.msk [tilespmem:v19+s20+$0x0], $0xffff;
	[tilespmem:s2+$0x20] =	vst v20  }
0x6d: {  	v24 =	vld.idx.msk [tilespmem:v25+s20+$0x0], $0xffff;
	v20 =	vor.u32 s25, v3;
	[tilespmem:s24+$0x20] =	vst v18  }
0x6e: {  	v25 =	vor.u32 v4, v16;
	v27 =	vld.idx.msk [tilespmem:v27+s20+$0x0], $0xffff;
	[tilespmem:s6+$0x20] =	vst v21  }
0x6f: {  	v18 =	vld.idx.msk [tilespmem:v23+s20+$0x0], $0xffff;
	v21 =	vor.u32 s14, v12;
	[tilespmem:s29+$0x30] =	vst v26  }
0x70: {  	v23 =	vor.u32 s21, v4;
	v28 =	vld.idx.msk [tilespmem:v28+s20+$0x0], $0xffff;
	[tilespmem:s4+$0x20] =	vst v22  }
0x71: {  	v22 =	vor.u32 v12, v17;
	v26 =	vld.idx.msk [tilespmem:v29+s20+$0x0], $0xffff;
	[tilespmem:s8+$0x30] =	vst v19  }
0x72: {  	v19 =	vor.u32 s23, v4;
	[tilespmem:s30+$0x30] =	vst v24;
	v20 =	vld.idx.msk [tilespmem:v20+s20+$0x0], $0xffff  }
0x73: {  	v29 =	vor.u32 s13, v13;
	v25 =	vld.idx.msk [tilespmem:v25+s20+$0x0], $0xffff;
	[tilespmem:s2+$0x30] =	vst v27  }
0x74: {  	v24 =	vor.u32 s25, v4;
	v21 =	vld.idx.msk [tilespmem:v21+s20+$0x0], $0xffff;
	[tilespmem:s24+$0x30] =	vst v18  }
0x75: {  	v27 =	vor.u32 v5, v16;
	v23 =	vld.idx.msk [tilespmem:v23+s20+$0x0], $0xffff;
	[tilespmem:s6+$0x30] =	vst v28  }
0x76: {  	v18 =	vld.idx.msk [tilespmem:v22+s20+$0x0], $0xffff;
	v22 =	vor.u32 s14, v13;
	[tilespmem:s29+$0x40] =	vst v26  }
0x77: {  	v28 =	vor.u32 s21, v5;
	v19 =	vld.idx.msk [tilespmem:v19+s20+$0x0], $0xffff;
	[tilespmem:s4+$0x30] =	vst v20  }
0x78: {  	v26 =	vld.idx.msk [tilespmem:v29+s20+$0x0], $0xffff;
	v20 =	vor.u32 v13, v17;
	[tilespmem:s8+$0x40] =	vst v25  }
0x79: {  	v25 =	vor.u32 s23, v5;
	v24 =	vld.idx.msk [tilespmem:v24+s20+$0x0], $0xffff;
	[tilespmem:s30+$0x40] =	vst v21  }
0x7a: {  	v29 =	vor.u32 s13, v14;
	v27 =	vld.idx.msk [tilespmem:v27+s20+$0x0], $0xffff;
	[tilespmem:s2+$0x40] =	vst v23  }
0x7b: {  	v21 =	vor.u32 s25, v5;
	v22 =	vld.idx.msk [tilespmem:v22+s20+$0x0], $0xffff;
	[tilespmem:s24+$0x40] =	vst v18  }
0x7c: {  	v23 =	vor.u32 v6, v16;
	v28 =	vld.idx.msk [tilespmem:v28+s20+$0x0], $0xffff;
	[tilespmem:s6+$0x40] =	vst v19  }
0x7d: {  	v19 =	vor.u32 s14, v14;
	[tilespmem:s29+$0x50] =	vst v26;
	v18 =	vld.idx.msk [tilespmem:v20+s20+$0x0], $0xffff  }
0x7e: {  	v20 =	vor.u32 s21, v6;
	v25 =	vld.idx.msk [tilespmem:v25+s20+$0x0], $0xffff;
	[tilespmem:s4+$0x40] =	vst v24  }
0x7f: {  	v26 =	vld.idx.msk [tilespmem:v29+s20+$0x0], $0xffff;
	v24 =	vor.u32 v14, v17;
	[tilespmem:s8+$0x50] =	vst v27  }
0x80: {  	v29 =	vor.u32 s7, v11;
	v21 =	vld.idx.msk [tilespmem:v21+s20+$0x0], $0xffff;
	[tilespmem:s30+$0x50] =	vst v22  }
0x81: {  	v27 =	vor.u32 s23, v6;
	v23 =	vld.idx.msk [tilespmem:v23+s20+$0x0], $0xffff;
	[tilespmem:s2+$0x50] =	vst v28  }
0x82: {  	v22 =	vor.u32 s13, v15;
	v19 =	vld.idx.msk [tilespmem:v19+s20+$0x0], $0xffff;
	[tilespmem:s24+$0x50] =	vst v18  }
0x83: {  	v28 =	vor.u32 s25, v6;
	v20 =	vld.idx.msk [tilespmem:v20+s20+$0x0], $0xffff;
	[tilespmem:s6+$0x50] =	vst v25  }
0x84: {  	v18 =	vor.u32 s14, v15;
	[tilespmem:s29+$0x60] =	vst v26;
	v24 =	vld.idx.msk [tilespmem:v24+s20+$0x0], $0xffff  }
0x85: {  	v30 =	vor.u32 s21, v7;
	v26 =	vld.idx.msk [tilespmem:v29+s20+$0x0], $0xffff;
	[tilespmem:s4+$0x50] =	vst v21  }
0x86: {  	v33 =	vor.u32 v7, v16;
	v32 =	vld.idx.msk [tilespmem:v27+s20+$0x0], $0xffff;
	[tilespmem:s8+$0x60] =	vst v23  }
0x87: {  	v31 =	vor.u32 s23, v7;
	v25 =	vld.idx.msk [tilespmem:v22+s20+$0x0], $0xffff;
	[tilespmem:s30+$0x60] =	vst v19  }
0x88: {  	v28 =	vld.idx.msk [tilespmem:v28+s20+$0x0], $0xffff;
	v22 =	vor.u32 s7, v12;
	[tilespmem:s2+$0x60] =	vst v20  }
0x89: {  	v23 =	vld.idx.msk [tilespmem:v18+s20+$0x0], $0xffff;
	[tilespmem:s24+$0x60] =	vst v24;
	v24 =	vor.u32 v15, v17  }
0x8a: {  	v21 =	vor.u32 s7, v13;
	v27 =	vld.idx.msk [tilespmem:v30+s20+$0x0], $0xffff;
	v30 =	vor.u32 s25, v7  }
0x8b: {  	v29 =	vld.idx.msk [tilespmem:v33+s20+$0x0], $0xffff;
	v19 =	vor.u32 s7, v15;
	v20 =	vor.u32 s7, v14;
	v18 =	vor.u32 s21, v8;
	[tilespmem:s6+$0x60] =	vst v32  }
.LBB2_3:
0x8c: {  	s26 =	sadd.s32 $0x4, s26;
	v31 =	vld.idx.msk [tilespmem:v31+s20+$0x0], $0xffff;
	[tilespmem:s22+$0x30] =	vst v26  }
0x8d: {  	v26 =	vor.u32 v8, v16;
	v17 =	vmov s26;
	s7 =	sand.u32 $0x4, s26;
	s11 =	sand.u32 $0x18, s26;
	p0 =	slt.u32 s26, $0x1C;
	v22 =	vld.idx.msk [tilespmem:v22+s20+$0x0], $0xffff;
	[tilespmem:s29+$0x70] =	vst v25  }
0x8e: {  	v25 =	vor.u32 s23, v8;
	v17 =	vand.u32 $0x1C, v17;
	s29 =	sor.u32 $0x1, s7;
	s12 =	sor.u32 $0x2, s7;
	s15 =	sor.u32 $0x3, s7;
	[tilespmem:s4+$0x60] =	vst v28;
	v24 =	vld.idx.msk [tilespmem:v24+s20+$0x0], $0xffff  }
0x8f: {  	v17 =	vbroadcast v17, $0x0;
	s7 =	sor.u32 s11, s29;
	s14 =	sor.u32 s11, s12;
	s13 =	sor.u32 s11, s15;
	v28 =	vld.idx.msk [tilespmem:v30+s20+$0x0], $0xffff;
	[tilespmem:s30+$0x70] =	vst v23  }
0x90: {  	s29 =	sshll.u32 s29, $0x7;
	v23 =	vor.u32 s7, v0;
	v30 =	vor.u32 s7, v8;
	[tilespmem:s2+$0x70] =	vst v27  }
0x91: {  	v27 =	vor.u32 v0, v17;
	[tilespmem:s8+$0x70] =	vst v29;
	v29 =	vld.idx.msk [tilespmem:v18+s20+$0x0], $0xffff;
	v18 =	vmov v30  }
0x92: {  	v30 =	vor.u32 s25, v8;
	v26 =	vld.idx.msk [tilespmem:v26+s20+$0x0], $0xffff;
	[tilespmem:s6+$0x70] =	vst v31  }
0x93: {  	v32 =	vor.u32 s21, v9;
	v31 =	vor.u32 s14, v0;
	v25 =	vld.idx.msk [tilespmem:v25+s20+$0x0], $0xffff;
	[tilespmem:s22+$0x40] =	vst v22  }
0x94: {  	v33 =	vor.u32 v9, v16;
	v22 =	vor.u32 s13, v0;
	[tilespmem:s24+$0x70] =	vst v24;
	v21 =	vld.idx.msk [tilespmem:v21+s20+$0x0], $0xffff  }
0x95: {  	s6 =	sadd.s32 $0x1000, s0;
	v23 =	vld.idx.msk [tilespmem:v23+s20+$0x0], $0xffff;
	[tilespmem:s4+$0x70] =	vst v28  }
0x96: {  	s11 =	sadd.s32 s28, s6;
	s28 =	smov.u32 s29;
	v24 =	vld.idx.msk [tilespmem:v27+s20+$0x0], $0xffff  }
0x97: {  	s31 =	sadd.s32 $0x200, s31;
	s24 =	sadd.s32 s1, s6;
	v27 =	vor.u32 s23, v9;
	[tilespmem:s11+$0x0] =	vst v29;
	v28 =	vld.idx.msk [tilespmem:v30+s20+$0x0], $0xffff  }
0x98: {  	s0 =	sand.u32 $0xC00, s31;
	s29 =	sadd.s32 s10, s6;
	v29 =	vor.u32 v1, v17;
	[tilespmem:s24+$0x0] =	vst v26;
	v26 =	vld.idx.msk [tilespmem:v32+s20+$0x0], $0xffff  }
0x99: {  	s0 =	sadd.s32 s0, s19;
	v30 =	vld.idx.msk [tilespmem:v33+s20+$0x0], $0xffff;
	[tilespmem:s29+$0x0] =	vst v25  }
0x9a: {  	s1 =	sand.u32 $0x200, s31;
	s2 =	sadd.s32 s28, s0;
	v25 =	vor.u32 s7, v1;
	v31 =	vld.idx.msk [tilespmem:v31+s20+$0x0], $0xffff;
	[tilespmem:s22+$0x50] =	vst v21  }
0x9b: {  	s8 =	sadd.s32 s1, s0;
	v21 =	vor.u32 s25, v9;
	[tilespmem:s2+$0x0] =	vst v23;
	v20 =	vld.idx.msk [tilespmem:v20+s20+$0x0], $0xffff  }
0x9c: {  	s30 =	sadd.s32 s9, s6;
	v23 =	vor.u32 s21, v10;
	[tilespmem:s8+$0x0] =	vst v24;
	v24 =	vld.idx.msk [tilespmem:v27+s20+$0x0], $0xffff  }
0x9d: {  	v22 =	vld.idx.msk [tilespmem:v22+s20+$0x0], $0xffff;
	[tilespmem:s30+$0x0] =	vst v28  }
0x9e: {  	s10 =	sshll.u32 s12, $0x7;
	v28 =	vor.u32 s14, v1;
	v27 =	vld.idx.msk [tilespmem:v29+s20+$0x0], $0xffff;
	[tilespmem:s11+$0x10] =	vst v26  }
0x9f: {  	s6 =	sadd.s32 s10, s0;
	v26 =	vor.u32 v2, v17;
	v29 =	vor.u32 s23, v10;
	v25 =	vld.idx.msk [tilespmem:v25+s20+$0x0], $0xffff;
	[tilespmem:s24+$0x10] =	vst v30  }
0xa0: {  	s9 =	sshll.u32 s15, $0x7;
	v30 =	vor.u32 s13, v1;
	[tilespmem:s6+$0x0] =	vst v31;
	v21 =	vld.idx.msk [tilespmem:v21+s20+$0x0], $0xffff  }
0xa1: {  	s4 =	sadd.s32 s9, s0;
	v23 =	vld.idx.msk [tilespmem:v23+s20+$0x0], $0xffff;
	[tilespmem:s22+$0x60] =	vst v20  }
0xa2: {  	v20 =	vor.u32 s25, v10;
	[tilespmem:s29+$0x10] =	vst v24;
	v19 =	vld.idx.msk [tilespmem:v19+s20+$0x0], $0xffff  }
0xa3: {  	v24 =	vor.u32 s7, v2;
	v28 =	vld.idx.msk [tilespmem:v28+s20+$0x0], $0xffff;
	[tilespmem:s4+$0x0] =	vst v22  }
0xa4: {  	v22 =	vor.u32 v10, v16;
	[tilespmem:s8+$0x10] =	vst v27;
	v27 =	vld.idx.msk [tilespmem:v29+s20+$0x0], $0xffff  }
0xa5: {  	[tilespmem:s2+$0x10] =	vst v25;
	v25 =	vor.u32 s14, v2;
	v29 =	vld.idx.msk [tilespmem:v30+s20+$0x0], $0xffff  }
0xa6: {  	v30 =	vor.u32 s23, v11;
	v26 =	vld.idx.msk [tilespmem:v26+s20+$0x0], $0xffff;
	[tilespmem:s30+$0x10] =	vst v21  }
0xa7: {  	v21 =	vor.u32 s13, v2;
	[tilespmem:s11+$0x20] =	vst v23;
	v20 =	vld.idx.msk [tilespmem:v20+s20+$0x0], $0xffff  }
0xa8: {  	v23 =	vor.u32 v3, v17;
	v24 =	vld.idx.msk [tilespmem:v24+s20+$0x0], $0xffff;
	[tilespmem:s22+$0x70] =	vst v19;
	s22 =	smov.u32 s11  }
0xa9: {  	[tilespmem:s6+$0x10] =	vst v28;
	v19 =	vld.idx.msk [tilespmem:v22+s20+$0x0], $0xffff;
	v22 =	vor.u32 s25, v11  }
0xaa: {  	v28 =	vor.u32 s7, v3;
	v25 =	vld.idx.msk [tilespmem:v25+s20+$0x0], $0xffff;
	[tilespmem:s29+$0x20] =	vst v27  }
0xab: {  	v27 =	vor.u32 v11, v16;
	[tilespmem:s4+$0x10] =	vst v29;
	v29 =	vld.idx.msk [tilespmem:v30+s20+$0x0], $0xffff  }
0xac: {  	[tilespmem:s8+$0x20] =	vst v26;
	v26 =	vor.u32 s14, v3;
	v21 =	vld.idx.msk [tilespmem:v21+s20+$0x0], $0xffff  }
0xad: {  	v30 =	vor.u32 s23, v12;
	v23 =	vld.idx.msk [tilespmem:v23+s20+$0x0], $0xffff;
	[tilespmem:s30+$0x20] =	vst v20  }
0xae: {  	v20 =	vor.u32 s13, v3;
	[tilespmem:s2+$0x20] =	vst v24;
	v24 =	vld.idx.msk [tilespmem:v22+s20+$0x0], $0xffff  }
0xaf: {  	v31 =	vor.u32 v4, v17;
	v28 =	vld.idx.msk [tilespmem:v28+s20+$0x0], $0xffff;
	[tilespmem:s24+$0x20] =	vst v19  }
0xb0: {  	v22 =	vor.u32 s21, v12;
	[tilespmem:s6+$0x20] =	vst v25;
	v19 =	vld.idx.msk [tilespmem:v27+s20+$0x0], $0xffff;
	v25 =	vor.u32 s25, v12  }
0xb1: {  	v27 =	vor.u32 s7, v4;
	v26 =	vld.idx.msk [tilespmem:v26+s20+$0x0], $0xffff;
	[tilespmem:s29+$0x30] =	vst v29  }
0xb2: {  	[tilespmem:s4+$0x20] =	vst v21;
	v21 =	vor.u32 v12, v16;
	v29 =	vld.idx.msk [tilespmem:v30+s20+$0x0], $0xffff  }
0xb3: {  	[tilespmem:s8+$0x30] =	vst v23;
	v23 =	vor.u32 s14, v4;
	v20 =	vld.idx.msk [tilespmem:v20+s20+$0x0], $0xffff  }
0xb4: {  	v30 =	vld.idx.msk [tilespmem:v31+s20+$0x0], $0xffff;
	v31 =	vor.u32 s23, v13;
	[tilespmem:s30+$0x30] =	vst v24  }
0xb5: {  	v24 =	vor.u32 s13, v4;
	[tilespmem:s2+$0x30] =	vst v28;
	v25 =	vld.idx.msk [tilespmem:v25+s20+$0x0], $0xffff  }
0xb6: {  	v28 =	vor.u32 v5, v17;
	v27 =	vld.idx.msk [tilespmem:v27+s20+$0x0], $0xffff;
	[tilespmem:s24+$0x30] =	vst v19  }
0xb7: {  	[tilespmem:s6+$0x30] =	vst v26;
	v19 =	vld.idx.msk [tilespmem:v21+s20+$0x0], $0xffff;
	v21 =	vor.u32 s21, v13;
	v26 =	vor.u32 s25, v13  }
0xb8: {  	v32 =	vor.u32 s7, v5;
	v23 =	vld.idx.msk [tilespmem:v23+s20+$0x0], $0xffff;
	[tilespmem:s29+$0x40] =	vst v29  }
0xb9: {  	[tilespmem:s4+$0x30] =	vst v20;
	v20 =	vor.u32 v13, v16;
	v29 =	vld.idx.msk [tilespmem:v31+s20+$0x0], $0xffff  }
0xba: {  	[tilespmem:s8+$0x40] =	vst v30;
	v30 =	vor.u32 s14, v5;
	v24 =	vld.idx.msk [tilespmem:v24+s20+$0x0], $0xffff  }
0xbb: {  	v31 =	vor.u32 s23, v14;
	v28 =	vld.idx.msk [tilespmem:v28+s20+$0x0], $0xffff;
	[tilespmem:s30+$0x40] =	vst v25  }
0xbc: {  	v25 =	vor.u32 s13, v5;
	[tilespmem:s2+$0x40] =	vst v27;
	v26 =	vld.idx.msk [tilespmem:v26+s20+$0x0], $0xffff  }
0xbd: {  	v27 =	vor.u32 v6, v17;
	v32 =	vld.idx.msk [tilespmem:v32+s20+$0x0], $0xffff;
	[tilespmem:s24+$0x40] =	vst v19  }
0xbe: {  	[tilespmem:s6+$0x40] =	vst v23;
	v19 =	vld.idx.msk [tilespmem:v20+s20+$0x0], $0xffff;
	v20 =	vor.u32 s21, v14;
	v23 =	vor.u32 s25, v14  }
0xbf: {  	v33 =	vor.u32 s7, v6;
	v30 =	vld.idx.msk [tilespmem:v30+s20+$0x0], $0xffff;
	[tilespmem:s29+$0x50] =	vst v29  }
0xc0: {  	[tilespmem:s4+$0x40] =	vst v24;
	v24 =	vor.u32 v14, v16;
	v29 =	vld.idx.msk [tilespmem:v31+s20+$0x0], $0xffff  }
0xc1: {  	v31 =	vor.u32 s21, v11;
	[tilespmem:s8+$0x50] =	vst v28;
	v28 =	vor.u32 s14, v6;
	v25 =	vld.idx.msk [tilespmem:v25+s20+$0x0], $0xffff  }
0xc2: {  	v27 =	vld.idx.msk [tilespmem:v27+s20+$0x0], $0xffff;
	[tilespmem:s30+$0x50] =	vst v26  }
0xc3: {  	[tilespmem:s2+$0x50] =	vst v32;
	v32 =	vor.u32 s23, v15;
	v23 =	vld.idx.msk [tilespmem:v23+s20+$0x0], $0xffff;
	s23 =	smov.u32 s14  }
0xc4: {  	v34 =	vor.u32 s13, v6;
	v33 =	vld.idx.msk [tilespmem:v33+s20+$0x0], $0xffff;
	[tilespmem:s24+$0x50] =	vst v19  }
0xc5: {  	v19 =	vor.u32 s21, v15;
	s21 =	smov.u32 s7;
	[tilespmem:s6+$0x50] =	vst v30;
	v35 =	vld.idx.msk [tilespmem:v24+s20+$0x0], $0xffff;
	v30 =	vor.u32 s25, v15;
	s25 =	smov.u32 s13  }
0xc6: {  	v36 =	vor.u32 s21, v7;
	v37 =	vld.idx.msk [tilespmem:v28+s20+$0x0], $0xffff;
	[tilespmem:s29+$0x60] =	vst v29  }
0xc7: {  	v29 =	vor.u32 v7, v17;
	[tilespmem:s4+$0x50] =	vst v25;
	v26 =	vld.idx.msk [tilespmem:v31+s20+$0x0], $0xffff  }
.Ltmp0:
0xc8: {  	v31 =	vor.u32 s23, v7;
	[tilespmem:s8+$0x60] =	vst v27;
	v25 =	vld.idx.msk [tilespmem:v32+s20+$0x0], $0xffff;
	(pc) =	sbr.rel @p0 .LBB2_3-.Ltmp0, $4  }
0xc9: {  	v28 =	vld.idx.msk [tilespmem:v34+s20+$0x0], $0xffff;
	[tilespmem:s30+$0x60] =	vst v23  }
0xca: {  	v24 =	vor.u32 v15, v16;
	v16 =	vmov v17;
	[tilespmem:s2+$0x60] =	vst v33;
	v23 =	vld.idx.msk [tilespmem:v30+s20+$0x0], $0xffff  }
0xcb: {  	v30 =	vor.u32 s25, v7;
	v27 =	vld.idx.msk [tilespmem:v36+s20+$0x0], $0xffff;
	[tilespmem:s24+$0x60] =	vst v35  }
0xcc: {  	v29 =	vld.idx.msk [tilespmem:v29+s20+$0x0], $0xffff;
	[tilespmem:s6+$0x60] =	vst v37  }
0xcd: {  	_ =	sdelay $0x3  }
0xce: {  	v17 =	vld.idx.msk [tilespmem:v31+s20+$0x0], $0xffff;
	v32 =	vor.u32 v8, v16  }
0xcf: {  	v53 =	vor.u32 s23, v8;
	[tilespmem:s4+$0x60] =	vst v28  }
0xd0: {  	v30 =	vld.idx.msk [tilespmem:v30+s20+$0x0], $0xffff  }
0xd1: {  	v54 =	vor.u32 s25, v8  }
0xd2: {  	[tilespmem:s8+$0x70] =	vst v29  }
0xd3: {  	[tilespmem:s6+$0x70] =	vst v17;
	v57 =	vld.idx.msk [tilespmem:v32+s20+$0x0], $0xffff  }
0xd4: {  	v59 =	vor.u32 v9, v16;
	v17 =	vld.idx.msk [tilespmem:v53+s20+$0x0], $0xffff  }
0xd5: {  	v55 =	vor.u32 s23, v9;
	[tilespmem:s4+$0x70] =	vst v30  }
0xd6: {  	s15 =	sadd.s32 $0x1000, s0;
	[tilespmem:s2+$0x70] =	vst v27;
	v56 =	vld.idx.msk [tilespmem:v54+s20+$0x0], $0xffff  }
0xd7: {  	v58 =	vor.u32 s25, v9;
	s1 =	sadd.s32 s1, s15;
	v18 =	vld.idx.msk [tilespmem:v18+s20+$0x0], $0xffff  }
0xd8: {  	v60 =	vor.u32 s21, v9;
	s0 =	sadd.s32 s10, s15;
	[tilespmem:s1+$0x0] =	vst v57  }
0xd9: {  	[tilespmem:s0+$0x0] =	vst v17;
	v63 =	vld.idx.msk [tilespmem:v59+s20+$0x0], $0xffff  }
0xda: {  	v38 =	vor.u32 v10, v16;
	s26 =	sadd.s32 s9, s15;
	v17 =	vld.idx.msk [tilespmem:v55+s20+$0x0], $0xffff  }
0xdb: {  	v61 =	vor.u32 s23, v10;
	s4 =	sadd.s32 s28, s15;
	[tilespmem:s26+$0x0] =	vst v56  }
0xdc: {  	[tilespmem:s4+$0x0] =	vst v18;
	v62 =	vld.idx.msk [tilespmem:v58+s20+$0x0], $0xffff  }
0xdd: {  	v36 =	vor.u32 s25, v10;
	v37 =	vld.idx.msk [tilespmem:v60+s20+$0x0], $0xffff  }
0xde: {  	v39 =	vor.u32 s21, v10;
	[tilespmem:s1+$0x10] =	vst v63  }
0xdf: {  	[tilespmem:s0+$0x10] =	vst v17;
	v42 =	vld.idx.msk [tilespmem:v38+s20+$0x0], $0xffff  }
0xe0: {  	v44 =	vor.u32 v11, v16;
	v17 =	vld.idx.msk [tilespmem:v61+s20+$0x0], $0xffff  }
0xe1: {  	v40 =	vor.u32 s23, v11;
	[tilespmem:s26+$0x10] =	vst v62  }
0xe2: {  	[tilespmem:s4+$0x10] =	vst v37;
	v41 =	vld.idx.msk [tilespmem:v36+s20+$0x0], $0xffff  }
0xe3: {  	v43 =	vor.u32 s25, v11;
	v30 =	vld.idx.msk [tilespmem:v39+s20+$0x0], $0xffff  }
0xe4: {  	v45 =	vor.u32 s21, v11;
	[tilespmem:s1+$0x20] =	vst v42  }
0xe5: {  	[tilespmem:s0+$0x20] =	vst v17;
	v28 =	vld.idx.msk [tilespmem:v44+s20+$0x0], $0xffff  }
0xe6: {  	v17 =	vld.idx.msk [tilespmem:v40+s20+$0x0], $0xffff  }
0xe7: {  	v48 =	vor.u32 v12, v16;
	[tilespmem:s26+$0x20] =	vst v41  }
0xe8: {  	v46 =	vor.u32 s23, v12;
	[tilespmem:s4+$0x20] =	vst v30;
	v27 =	vld.idx.msk [tilespmem:v43+s20+$0x0], $0xffff  }
0xe9: {  	v47 =	vor.u32 s25, v12;
	[tilespmem:s22+$0x30] =	vst v26;
	v49 =	vld.idx.msk [tilespmem:v45+s20+$0x0], $0xffff  }
0xea: {  	v50 =	vor.u32 s21, v12;
	[tilespmem:s1+$0x30] =	vst v28  }
0xeb: {  	[tilespmem:s0+$0x30] =	vst v17;
	v17 =	vld.idx.msk [tilespmem:v22+s20+$0x0], $0xffff  }
0xec: {  	v28 =	vld.idx.msk [tilespmem:v48+s20+$0x0], $0xffff  }
0xed: {  	v53 =	vor.u32 v13, v16;
	v18 =	vld.idx.msk [tilespmem:v46+s20+$0x0], $0xffff;
	[tilespmem:s26+$0x30] =	vst v27  }
0xee: {  	v51 =	vor.u32 s23, v13;
	[tilespmem:s4+$0x30] =	vst v49;
	v27 =	vld.idx.msk [tilespmem:v47+s20+$0x0], $0xffff  }
0xef: {  	v52 =	vor.u32 s25, v13;
	v26 =	vld.idx.msk [tilespmem:v50+s20+$0x0], $0xffff  }
0xf0: {  	[tilespmem:s22+$0x40] =	vst v17;
	v17 =	vor.u32 s21, v13  }
0xf1: {  	[tilespmem:s1+$0x40] =	vst v28;
	v21 =	vld.idx.msk [tilespmem:v21+s20+$0x0], $0xffff  }
0xf2: {  	[tilespmem:s0+$0x40] =	vst v18;
	v28 =	vld.idx.msk [tilespmem:v53+s20+$0x0], $0xffff  }
0xf3: {  	v56 =	vor.u32 v14, v16;
	v18 =	vld.idx.msk [tilespmem:v51+s20+$0x0], $0xffff;
	[tilespmem:s26+$0x40] =	vst v27  }
0xf4: {  	v54 =	vor.u32 s23, v14;
	[tilespmem:s4+$0x40] =	vst v26;
	v27 =	vld.idx.msk [tilespmem:v52+s20+$0x0], $0xffff  }
0xf5: {  	[tilespmem:s29+$0x70] =	vst v25;
	v55 =	vor.u32 s25, v14;
	v17 =	vld.idx.msk [tilespmem:v17+s20+$0x0], $0xffff  }
0xf6: {  	v57 =	vor.u32 s21, v14;
	[tilespmem:s22+$0x50] =	vst v21  }
0xf7: {  	[tilespmem:s1+$0x50] =	vst v28;
	v20 =	vld.idx.msk [tilespmem:v20+s20+$0x0], $0xffff  }
0xf8: {  	[tilespmem:s0+$0x50] =	vst v18;
	v25 =	vld.idx.msk [tilespmem:v56+s20+$0x0], $0xffff  }
0xf9: {  	v16 =	vor.u32 v15, v16;
	v18 =	vld.idx.msk [tilespmem:v54+s20+$0x0], $0xffff;
	[tilespmem:s26+$0x50] =	vst v27  }
0xfa: {  	v58 =	vor.u32 s23, v15;
	v59 =	vld.idx.msk [tilespmem:v55+s20+$0x0], $0xffff;
	[tilespmem:s4+$0x50] =	vst v17  }
0xfb: {  	[tilespmem:s30+$0x70] =	vst v23;
	v60 =	vor.u32 s25, v15;
	v17 =	vld.idx.msk [tilespmem:v57+s20+$0x0], $0xffff  }
0xfc: {  	v61 =	vld.idx.msk [tilespmem:v24+s20+$0x0], $0xffff;
	v62 =	vor.u32 s21, v15;
	[tilespmem:s22+$0x60] =	vst v20  }
0xfd: {  	[tilespmem:s1+$0x60] =	vst v25;
	v19 =	vld.idx.msk [tilespmem:v19+s20+$0x0], $0xffff  }
0xfe: {  	[tilespmem:s0+$0x60] =	vst v18;
	v16 =	vld.idx.msk [tilespmem:v16+s20+$0x0], $0xffff  }
0xff: {  	v18 =	vld.idx.msk [tilespmem:v58+s20+$0x0], $0xffff;
	[tilespmem:s26+$0x60] =	vst v59  }
0x100: {  	v63 =	vld.idx.msk [tilespmem:v60+s20+$0x0], $0xffff;
	[tilespmem:s4+$0x60] =	vst v17  }
0x101: {  	[tilespmem:s24+$0x70] =	vst v61;
	v17 =	vld.idx.msk [tilespmem:v62+s20+$0x0], $0xffff  }
0x102: {  	p0 =	sne.s32 s16, $0x19;
	[tilespmem:s22+$0x70] =	vst v19  }
.Ltmp1:
0x103: {  	[tilespmem:s1+$0x70] =	vst v16;
	(pc) =	sbr.rel @p0 .LBB2_2-.Ltmp1, $4  }
0x104: {  	[tilespmem:s0+$0x70] =	vst v18  }
0x105: {  	s29 =	sadd.s32 $0x3, s18;
	s31 =	simm.s32 $0x8000;
	s28 =	sshll.u32 s17, $0xF;
	[tilespmem:s26+$0x70] =	vst v63  }
0x106: {  	s30 =	simm.s32 $0x400;
	s17 =	smov.u32 s16;
	s0 =	sadd.s32 s28, s5;
	[tilespmem:s4+$0x70] =	vst v17  }
0x107: {  	[hbm4b:s0+s30] =	stream.strided.scatter [tilespmem:s19], [sflag:s29], $0x2000, s31, s30, $0x38;
	[tilespmem:$0x9900] =	vst v63  }
0x108: {  	s0 =	simm.s32 $0x4  }
0x109: {  	_ =	swait.ge [sflag:s0], $0x2000  }
0x10a: {  	[sflag:s0] =	ssyncset.done $0x0  }
0x10b: {  	s1 =	simm.s32 $0x3;
	[sflag:s0] =	ssyncadd.s32 $0xFFFFE000  }
0x10c: {  	_ =	swait.ge [sflag:s1], $0x2000  }
0x10d: {  	s2 =	rddreg [dreg:$0x5]  }
0x10e: {  	s31 =	rddreg [dreg:$0x4];
	s2 =	sadd.s32 $0x1, s2  }
0x10f: {  	p0 =	sne.s32 s2, s31  }
.Ltmp2:
0x110: {  	_ = 	snop;
	(pc) =	sbr.rel @p0 .LBB2_1-.Ltmp2, $3  }
0x111: {  	_ =	sdelay $0x1  }
0x112: {  	[sflag:s1] =	ssyncset.done $0x0  }
0x113: {  	[sflag:s1] =	ssyncadd.s32 $0xFFFFE000  }
0x114: {  	_ =	sfence.sel $0x180000  }
0x115: {  	[bflag:$0x0] =	sbarrier.arrive $0xFFFF  }
0x116: {  	_ =	strace $0x90000047  }
0x117: {  	s0 =	stileid.u32;
	[bflag:$0x2] =	sbarrier.arrive $0xFFFF  }
0x118: {  	p0 =	sne.s32 s0, $0x0;
	s0 =	rddreg [dreg:$0x2]  }
0x119: {  	s0 =	sadd.s32 @!p0 $0x100000, s0  }
0x11a: {  	[sflag:s0] =	ssyncadd.tile.s32 @!p0 $0x1;
	_ =	shalt  }
.Lfunc_end2:
_tile_overlayer_lowered:
.L_overlay_start_2:
0x11b: {  	(tag) =	ssettag $0x2  }
0x11c: {  	s0 =	rddreg [dreg:$0x0];
	s2 =	stileid.u32  }
0x11d: {  	s1 =	rddreg [dreg:$0x1];
	p0 =	sne.s32 s2, $0x0  }
0x11e: {  	s3 =	rddreg [dreg:$0x2];
	[bflag:$0x3] =	sbarrier.arrive $0xFFFF;
	s2 =	simm.s32 @!p0 $0x1C05  }
0x11f: {  	[timem:s3], [sflag:s2] =	dma.local @!p0 [hbm:s0], s1  }
0x120: {  	s0 =	simm.s32 @!p0 $0x5  }
0x121: {  	_ =	swait.ge @!p0 [sflag:s0], s1  }
0x122: {  	s1 =	ssub.s32 @!p0 $0x0, s1;
	[sflag:s0] =	ssyncset.done @!p0 $0x0  }
0x123: {  	[sflag:s0] =	ssyncadd.s32 @!p0 s1  }
0x124: {  	[bflag:$0x3] =	sbarrier.arrive $0xFFFF  }
0x125: {  	_ =	shalt  }

</sc_bundles>
